<compile_context>
chip_gen: v7x
topology: tpu7x:2x2x1
jax: 0.10.2.dev20260603
libtpu: 0.0.44.dev20260713+nightly
codegen_flags: <defaults>
</compile_context>

<pallas_src>
import functools

import jax
import jax.numpy as jnp
from jax import lax
from jax.experimental import pallas as pl
from jax.experimental.pallas import tpu as pltpu
from jax.experimental.pallas import tpu_sc as plsc

VOCAB = 1000000
EMB = 64
BATCH = 16384
CTX = 20

NC = 2
NS = 16
NW = NC * NS
BPW = BATCH // NW
CHUNK = 128
NJ = BPW // CHUNK
INV_CTX = 1.0 / CTX


def _make_mesh():
    return plsc.VectorSubcoreMesh(
        core_axis_name="c", subcore_axis_name="s", num_cores=NC, num_subcores=NS
    )


_scratch = [
    pltpu.VMEM((BPW * CTX,), jnp.int32),
    pltpu.VMEM((CTX * NJ, CHUNK), jnp.int32),
    pltpu.VMEM((BPW, EMB), jnp.float32),
    pltpu.SemaphoreType.DMA,
    pltpu.SemaphoreType.DMA,
]


def _cbow_body(x_hbm, table_hbm, out_hbm, idx_flat, idx_t, acc, isem, gsem):
    wid = lax.axis_index("s") * NC + lax.axis_index("c")
    base = wid * BPW

    idx_cp = pltpu.async_copy(
        x_hbm.at[pl.ds(base * CTX, BPW * CTX)], idx_flat, isem
    )

    zeros = jnp.zeros((16,), jnp.float32)

    @pl.loop(0, BPW)
    def _zero(r):
        for v in range(EMB // 16):
            acc[r, pl.ds(v * 16, 16)] = zeros

    idx_cp.wait()

    iota16 = lax.iota(jnp.int32, 16)
    step = iota16 * CTX

    @pl.loop(0, CTX)
    def _launch(g):
        for j in range(NJ):
            for t in range(CHUNK // 16):
                lanes = step + ((j * CHUNK + t * 16) * CTX + g)
                idx_t[g * NJ + j, pl.ds(t * 16, 16)] = plsc.load_gather(
                    idx_flat, [lanes]
                )
        for j in range(NJ):
            pltpu.async_copy(
                table_hbm.at[idx_t.at[g * NJ + j]],
                acc.at[pl.ds(j * CHUNK, CHUNK)],
                gsem,
                add=True,
            )

    @pl.loop(0, CTX * NJ)
    def _drain(i):
        pltpu.make_async_copy(
            table_hbm.at[idx_t.at[0]], acc.at[pl.ds(0, CHUNK)], gsem
        ).wait()

    @pl.loop(0, BPW)
    def _scale(r):
        for v in range(EMB // 16):
            sl = pl.ds(v * 16, 16)
            acc[r, sl] = acc[r, sl] * INV_CTX

    pltpu.sync_copy(acc, out_hbm.at[pl.ds(base, BPW)])


_cbow_sc_cache = []


def _get_cbow_sc():
    if not _cbow_sc_cache:
        _cbow_sc_cache.append(
            pl.kernel(
                _cbow_body,
                mesh=_make_mesh(),
                out_type=jax.ShapeDtypeStruct((BATCH, EMB), jnp.float32),
                scratch_types=_scratch,
                compiler_params=pltpu.CompilerParams(
                    needs_layout_passes=False, use_tc_tiling_on_sc=False
                ),
            )
        )
    return _cbow_sc_cache[0]


def kernel(x, embedding_table):
    return _get_cbow_sc()(x.reshape(BATCH * CTX), embedding_table)

# --- scband reference (transcript-rebuilt; emitter-appended) ---
"""Pipeline reference for scband-cbow-84404697301658 (READ-ONLY COPY).

The authoritative reference and input builder live on the scoring server;
editing this copy changes nothing except your own understanding.
"""

import jax, jax.numpy as jnp
import numpy as np

VOCAB = 1000000
EMB = 64
BATCH = 16384
CTX = 20

def setup_inputs(seed: int = 0) -> dict:
    key = jax.random.key(seed)
    k1, k2 = jax.random.split(key)
    x = jax.random.randint(k1, (BATCH, CTX), 0, VOCAB, dtype=jnp.int64 if jax.config.read('jax_enable_x64') else jnp.int32).astype(jnp.int32)
    embedding_table = jax.random.normal(k2, (VOCAB, EMB), dtype=jnp.float32) * 0.1
    return {"x": x, "embedding_table": embedding_table}

def reference(x, embedding_table):
    # CBOW.predict: embed context indices, mean over context axis
    o = jnp.take(embedding_table, x, axis=0)  # [B, CTX, EMB]
    o = jnp.mean(o, axis=1)                   # [B, EMB]
    return o

if __name__ == "__main__":
    import jax
    _d = setup_inputs()
    print(jax.jit(kernel)(*tuple(_d.values())))

</pallas_src>

<mosaic_0001>
#map = affine_map<(d0, d1) -> (0)>
#map1 = affine_map<(d0, d1) -> (0, 0)>
module attributes {stable_mosaic.version = 14 : i64} {
  func.func @_cbow_body(%arg0: i32, %arg1: i32, %arg2: memref<327680xi32, #tpu.memory_space<hbm>>, %arg3: memref<1000000x64xf32, #tpu.memory_space<hbm>>, %arg4: memref<16384x64xf32, #tpu.memory_space<hbm>>, %arg5: memref<10240xi32, #tpu.memory_space<vmem>>, %arg6: memref<80x128xi32, #tpu.memory_space<vmem>>, %arg7: memref<512x64xf32, #tpu.memory_space<vmem>>, %arg8: memref<!tpu.dma_semaphore, #tpu.memory_space<semaphore_mem>>, %arg9: memref<!tpu.dma_semaphore, #tpu.memory_space<semaphore_mem>>) attributes {dimension_semantics = [#tpu.dimension_semantics<core_parallel>, #tpu.dimension_semantics<subcore_parallel>], iteration_bounds = array<i64: 2, 16>, scalar_prefetch = 0 : i64, scratch_operands = 5 : i64, tpu.core_type = #tpu.core_type<sc_vector_subcore>, window_params = [{transform_indices = #map}, {transform_indices = #map1}, {transform_indices = #map1}]} {
    %mul3A = arith.constant 2 : i32
    %mul3A_0 = arith.muli %arg1, %mul3A : i32
    %add3A = arith.addi %mul3A_0, %arg0 : i32
    %mul3A_1 = arith.constant 512 : i32
    %mul3A_2 = arith.muli %add3A, %mul3A_1 : i32
    %mul3A_3 = arith.constant 20 : i32
    %mul3A_4 = arith.muli %mul3A_2, %mul3A_3 : i32
    %dma_start3A = tpu.memref_slice %arg2[%mul3A_4] : memref<327680xi32, #tpu.memory_space<hbm>> -> memref<10240xi32, #tpu.memory_space<hbm>>
    %dma_start3A_5 = tpu.memref_slice %arg2[%mul3A_4] : memref<327680xi32, #tpu.memory_space<hbm>> -> memref<10240xi32, #tpu.memory_space<hbm>>
    tpu.enqueue_dma source(%dma_start3A_5 : memref<10240xi32, #tpu.memory_space<hbm>>) target(%arg5 : memref<10240xi32, #tpu.memory_space<vmem>>) target_semaphore(%arg8 : memref<!tpu.dma_semaphore, #tpu.memory_space<semaphore_mem>>)
    %broadcast_in_dim3A = arith.constant 0.000000e+00 : f32
    %broadcast_in_dim3A_6 = vector.broadcast %broadcast_in_dim3A : f32 to vector<16xf32>
    %scan3A = arith.constant 0 : i32
    %scan3A_7 = arith.constant 512 : i32
    %scan3A_8 = arith.addi %scan3A, %scan3A_7 : i32
    %scan3A_9 = arith.constant 1 : i32
    scf.for %scan3A_30 = %scan3A to %scan3A_8 step %scan3A_9  : i32 {
      %mul3A_31 = arith.constant 1 : i32
      %mul3A_32 = arith.muli %scan3A_30, %mul3A_31 : i32
      %add3A_33 = arith.constant 0 : i32
      %add3A_34 = arith.addi %add3A_33, %mul3A_32 : i32
      %swap3A = arith.index_cast %add3A_34 : i32 to index
      %swap3A_35 = arith.constant 0 : index
      %swap3A_36 = tpu.vector_load %arg7[%swap3A, %swap3A_35] {strides = array<i32>} : memref<512x64xf32, #tpu.memory_space<vmem>>, vector<16xf32>,
      tpu.vector_store %arg7[%swap3A, %swap3A_35], %broadcast_in_dim3A_6 {strides = array<i32>} : memref<512x64xf32, #tpu.memory_space<vmem>>, vector<16xf32>,
      %swap3A_37 = arith.index_cast %add3A_34 : i32 to index
      %swap3A_38 = arith.constant 16 : index
      %swap3A_39 = tpu.vector_load %arg7[%swap3A_37, %swap3A_38] {strides = array<i32>} : memref<512x64xf32, #tpu.memory_space<vmem>>, vector<16xf32>,
      tpu.vector_store %arg7[%swap3A_37, %swap3A_38], %broadcast_in_dim3A_6 {strides = array<i32>} : memref<512x64xf32, #tpu.memory_space<vmem>>, vector<16xf32>,
      %swap3A_40 = arith.index_cast %add3A_34 : i32 to index
      %swap3A_41 = arith.constant 32 : index
      %swap3A_42 = tpu.vector_load %arg7[%swap3A_40, %swap3A_41] {strides = array<i32>} : memref<512x64xf32, #tpu.memory_space<vmem>>, vector<16xf32>,
      tpu.vector_store %arg7[%swap3A_40, %swap3A_41], %broadcast_in_dim3A_6 {strides = array<i32>} : memref<512x64xf32, #tpu.memory_space<vmem>>, vector<16xf32>,
      %swap3A_43 = arith.index_cast %add3A_34 : i32 to index
      %swap3A_44 = arith.constant 48 : index
      %swap3A_45 = tpu.vector_load %arg7[%swap3A_43, %swap3A_44] {strides = array<i32>} : memref<512x64xf32, #tpu.memory_space<vmem>>, vector<16xf32>,
      tpu.vector_store %arg7[%swap3A_43, %swap3A_44], %broadcast_in_dim3A_6 {strides = array<i32>} : memref<512x64xf32, #tpu.memory_space<vmem>>, vector<16xf32>,
    }
    %scan3A_10 = arith.constant 512 : i32
    %dma_wait3A = tpu.memref_slice %arg2[%mul3A_4] : memref<327680xi32, #tpu.memory_space<hbm>> -> memref<10240xi32, #tpu.memory_space<hbm>>
    %dma_wait3A_11 = tpu.memref_slice %arg2[%mul3A_4] : memref<327680xi32, #tpu.memory_space<hbm>> -> memref<10240xi32, #tpu.memory_space<hbm>>
    tpu.wait_dma2 semaphore(%arg8 : memref<!tpu.dma_semaphore, #tpu.memory_space<semaphore_mem>>) src(%dma_wait3A_11 : memref<10240xi32, #tpu.memory_space<hbm>>) dst(%arg5 : memref<10240xi32, #tpu.memory_space<vmem>>)
    %iota3A = tpu.iota {dimensions = array<i32: 0>} : vector<16xi32>
    %mul3A_12 = arith.constant 20 : i32
    %mul3A_13 = vector.broadcast %mul3A_12 : i32 to vector<16xi32>
    %mul3A_14 = arith.muli %iota3A, %mul3A_13 : vector<16xi32>
    %scan3A_15 = arith.constant 0 : i32
    %scan3A_16 = arith.constant 20 : i32
    %scan3A_17 = arith.addi %scan3A_15, %scan3A_16 : i32
    %scan3A_18 = arith.constant 1 : i32
    scf.for %scan3A_30 = %scan3A_15 to %scan3A_17 step %scan3A_18  : i32 {
      %mul3A_31 = arith.constant 1 : i32
      %mul3A_32 = arith.muli %scan3A_30, %mul3A_31 : i32
      %add3A_33 = arith.constant 0 : i32
      %add3A_34 = arith.addi %add3A_33, %mul3A_32 : i32
      %add3A_35 = arith.constant 0 : i32
      %add3A_36 = arith.addi %add3A_35, %add3A_34 : i32
      %add3A_37 = vector.broadcast %add3A_36 : i32 to vector<16xi32>
      %add3A_38 = arith.addi %mul3A_14, %add3A_37 : vector<16xi32>
      %gather3A = tpu.vector_load_idx %arg5[%add3A_38] : memref<10240xi32, #tpu.memory_space<vmem>>[vector<16xi32>], vector<16xi32>,
      %mul3A_39 = arith.constant 4 : i32
      %mul3A_40 = arith.muli %add3A_34, %mul3A_39 : i32
      %add3A_41 = arith.constant 0 : i32
      %add3A_42 = arith.addi %mul3A_40, %add3A_41 : i32
      %swap3A = arith.index_cast %add3A_42 : i32 to index
      %swap3A_43 = arith.constant 0 : index
      %swap3A_44 = tpu.vector_load %arg6[%swap3A, %swap3A_43] {strides = array<i32>} : memref<80x128xi32, #tpu.memory_space<vmem>>, vector<16xi32>,
      tpu.vector_store %arg6[%swap3A, %swap3A_43], %gather3A {strides = array<i32>} : memref<80x128xi32, #tpu.memory_space<vmem>>, vector<16xi32>,
      %add3A_45 = arith.constant 320 : i32
      %add3A_46 = arith.addi %add3A_45, %add3A_34 : i32
      %add3A_47 = vector.broadcast %add3A_46 : i32 to vector<16xi32>
      %add3A_48 = arith.addi %mul3A_14, %add3A_47 : vector<16xi32>
      %gather3A_49 = tpu.vector_load_idx %arg5[%add3A_48] : memref<10240xi32, #tpu.memory_space<vmem>>[vector<16xi32>], vector<16xi32>,
      %mul3A_50 = arith.constant 4 : i32
      %mul3A_51 = arith.muli %add3A_34, %mul3A_50 : i32
      %add3A_52 = arith.constant 0 : i32
      %add3A_53 = arith.addi %mul3A_51, %add3A_52 : i32
      %swap3A_54 = arith.index_cast %add3A_53 : i32 to index
      %swap3A_55 = arith.constant 16 : index
      %swap3A_56 = tpu.vector_load %arg6[%swap3A_54, %swap3A_55] {strides = array<i32>} : memref<80x128xi32, #tpu.memory_space<vmem>>, vector<16xi32>,
      tpu.vector_store %arg6[%swap3A_54, %swap3A_55], %gather3A_49 {strides = array<i32>} : memref<80x128xi32, #tpu.memory_space<vmem>>, vector<16xi32>,
      %add3A_57 = arith.constant 640 : i32
      %add3A_58 = arith.addi %add3A_57, %add3A_34 : i32
      %add3A_59 = vector.broadcast %add3A_58 : i32 to vector<16xi32>
      %add3A_60 = arith.addi %mul3A_14, %add3A_59 : vector<16xi32>
      %gather3A_61 = tpu.vector_load_idx %arg5[%add3A_60] : memref<10240xi32, #tpu.memory_space<vmem>>[vector<16xi32>], vector<16xi32>,
      %mul3A_62 = arith.constant 4 : i32
      %mul3A_63 = arith.muli %add3A_34, %mul3A_62 : i32
      %add3A_64 = arith.constant 0 : i32
      %add3A_65 = arith.addi %mul3A_63, %add3A_64 : i32
      %swap3A_66 = arith.index_cast %add3A_65 : i32 to index
      %swap3A_67 = arith.constant 32 : index
      %swap3A_68 = tpu.vector_load %arg6[%swap3A_66, %swap3A_67] {strides = array<i32>} : memref<80x128xi32, #tpu.memory_space<vmem>>, vector<16xi32>,
      tpu.vector_store %arg6[%swap3A_66, %swap3A_67], %gather3A_61 {strides = array<i32>} : memref<80x128xi32, #tpu.memory_space<vmem>>, vector<16xi32>,
      %add3A_69 = arith.constant 960 : i32
      %add3A_70 = arith.addi %add3A_69, %add3A_34 : i32
      %add3A_71 = vector.broadcast %add3A_70 : i32 to vector<16xi32>
      %add3A_72 = arith.addi %mul3A_14, %add3A_71 : vector<16xi32>
      %gather3A_73 = tpu.vector_load_idx %arg5[%add3A_72] : memref<10240xi32, #tpu.memory_space<vmem>>[vector<16xi32>], vector<16xi32>,
      %mul3A_74 = arith.constant 4 : i32
      %mul3A_75 = arith.muli %add3A_34, %mul3A_74 : i32
      %add3A_76 = arith.constant 0 : i32
      %add3A_77 = arith.addi %mul3A_75, %add3A_76 : i32
      %swap3A_78 = arith.index_cast %add3A_77 : i32 to index
      %swap3A_79 = arith.constant 48 : index
      %swap3A_80 = tpu.vector_load %arg6[%swap3A_78, %swap3A_79] {strides = array<i32>} : memref<80x128xi32, #tpu.memory_space<vmem>>, vector<16xi32>,
      tpu.vector_store %arg6[%swap3A_78, %swap3A_79], %gather3A_73 {strides = array<i32>} : memref<80x128xi32, #tpu.memory_space<vmem>>, vector<16xi32>,
      %add3A_81 = arith.constant 1280 : i32
      %add3A_82 = arith.addi %add3A_81, %add3A_34 : i32
      %add3A_83 = vector.broadcast %add3A_82 : i32 to vector<16xi32>
      %add3A_84 = arith.addi %mul3A_14, %add3A_83 : vector<16xi32>
      %gather3A_85 = tpu.vector_load_idx %arg5[%add3A_84] : memref<10240xi32, #tpu.memory_space<vmem>>[vector<16xi32>], vector<16xi32>,
      %mul3A_86 = arith.constant 4 : i32
      %mul3A_87 = arith.muli %add3A_34, %mul3A_86 : i32
      %add3A_88 = arith.constant 0 : i32
      %add3A_89 = arith.addi %mul3A_87, %add3A_88 : i32
      %swap3A_90 = arith.index_cast %add3A_89 : i32 to index
      %swap3A_91 = arith.constant 64 : index
      %swap3A_92 = tpu.vector_load %arg6[%swap3A_90, %swap3A_91] {strides = array<i32>} : memref<80x128xi32, #tpu.memory_space<vmem>>, vector<16xi32>,
      tpu.vector_store %arg6[%swap3A_90, %swap3A_91], %gather3A_85 {strides = array<i32>} : memref<80x128xi32, #tpu.memory_space<vmem>>, vector<16xi32>,
      %add3A_93 = arith.constant 1600 : i32
      %add3A_94 = arith.addi %add3A_93, %add3A_34 : i32
      %add3A_95 = vector.broadcast %add3A_94 : i32 to vector<16xi32>
      %add3A_96 = arith.addi %mul3A_14, %add3A_95 : vector<16xi32>
      %gather3A_97 = tpu.vector_load_idx %arg5[%add3A_96] : memref<10240xi32, #tpu.memory_space<vmem>>[vector<16xi32>], vector<16xi32>,
      %mul3A_98 = arith.constant 4 : i32
      %mul3A_99 = arith.muli %add3A_34, %mul3A_98 : i32
      %add3A_100 = arith.constant 0 : i32
      %add3A_101 = arith.addi %mul3A_99, %add3A_100 : i32
      %swap3A_102 = arith.index_cast %add3A_101 : i32 to index
      %swap3A_103 = arith.constant 80 : index
      %swap3A_104 = tpu.vector_load %arg6[%swap3A_102, %swap3A_103] {strides = array<i32>} : memref<80x128xi32, #tpu.memory_space<vmem>>, vector<16xi32>,
      tpu.vector_store %arg6[%swap3A_102, %swap3A_103], %gather3A_97 {strides = array<i32>} : memref<80x128xi32, #tpu.memory_space<vmem>>, vector<16xi32>,
      %add3A_105 = arith.constant 1920 : i32
      %add3A_106 = arith.addi %add3A_105, %add3A_34 : i32
      %add3A_107 = vector.broadcast %add3A_106 : i32 to vector<16xi32>
      %add3A_108 = arith.addi %mul3A_14, %add3A_107 : vector<16xi32>
      %gather3A_109 = tpu.vector_load_idx %arg5[%add3A_108] : memref<10240xi32, #tpu.memory_space<vmem>>[vector<16xi32>], vector<16xi32>,
      %mul3A_110 = arith.constant 4 : i32
      %mul3A_111 = arith.muli %add3A_34, %mul3A_110 : i32
      %add3A_112 = arith.constant 0 : i32
      %add3A_113 = arith.addi %mul3A_111, %add3A_112 : i32
      %swap3A_114 = arith.index_cast %add3A_113 : i32 to index
      %swap3A_115 = arith.constant 96 : index
      %swap3A_116 = tpu.vector_load %arg6[%swap3A_114, %swap3A_115] {strides = array<i32>} : memref<80x128xi32, #tpu.memory_space<vmem>>, vector<16xi32>,
      tpu.vector_store %arg6[%swap3A_114, %swap3A_115], %gather3A_109 {strides = array<i32>} : memref<80x128xi32, #tpu.memory_space<vmem>>, vector<16xi32>,
      %add3A_117 = arith.constant 2240 : i32
      %add3A_118 = arith.addi %add3A_117, %add3A_34 : i32
      %add3A_119 = vector.broadcast %add3A_118 : i32 to vector<16xi32>
      %add3A_120 = arith.addi %mul3A_14, %add3A_119 : vector<16xi32>
      %gather3A_121 = tpu.vector_load_idx %arg5[%add3A_120] : memref<10240xi32, #tpu.memory_space<vmem>>[vector<16xi32>], vector<16xi32>,
      %mul3A_122 = arith.constant 4 : i32
      %mul3A_123 = arith.muli %add3A_34, %mul3A_122 : i32
      %add3A_124 = arith.constant 0 : i32
      %add3A_125 = arith.addi %mul3A_123, %add3A_124 : i32
      %swap3A_126 = arith.index_cast %add3A_125 : i32 to index
      %swap3A_127 = arith.constant 112 : index
      %swap3A_128 = tpu.vector_load %arg6[%swap3A_126, %swap3A_127] {strides = array<i32>} : memref<80x128xi32, #tpu.memory_space<vmem>>, vector<16xi32>,
      tpu.vector_store %arg6[%swap3A_126, %swap3A_127], %gather3A_121 {strides = array<i32>} : memref<80x128xi32, #tpu.memory_space<vmem>>, vector<16xi32>,
      %add3A_129 = arith.constant 2560 : i32
      %add3A_130 = arith.addi %add3A_129, %add3A_34 : i32
      %add3A_131 = vector.broadcast %add3A_130 : i32 to vector<16xi32>
      %add3A_132 = arith.addi %mul3A_14, %add3A_131 : vector<16xi32>
      %gather3A_133 = tpu.vector_load_idx %arg5[%add3A_132] : memref<10240xi32, #tpu.memory_space<vmem>>[vector<16xi32>], vector<16xi32>,
      %mul3A_134 = arith.constant 4 : i32
      %mul3A_135 = arith.muli %add3A_34, %mul3A_134 : i32
      %add3A_136 = arith.constant 1 : i32
      %add3A_137 = arith.addi %mul3A_135, %add3A_136 : i32
      %swap3A_138 = arith.index_cast %add3A_137 : i32 to index
      %swap3A_139 = arith.constant 0 : index
      %swap3A_140 = tpu.vector_load %arg6[%swap3A_138, %swap3A_139] {strides = array<i32>} : memref<80x128xi32, #tpu.memory_space<vmem>>, vector<16xi32>,
      tpu.vector_store %arg6[%swap3A_138, %swap3A_139], %gather3A_133 {strides = array<i32>} : memref<80x128xi32, #tpu.memory_space<vmem>>, vector<16xi32>,
      %add3A_141 = arith.constant 2880 : i32
      %add3A_142 = arith.addi %add3A_141, %add3A_34 : i32
      %add3A_143 = vector.broadcast %add3A_142 : i32 to vector<16xi32>
      %add3A_144 = arith.addi %mul3A_14, %add3A_143 : vector<16xi32>
      %gather3A_145 = tpu.vector_load_idx %arg5[%add3A_144] : memref<10240xi32, #tpu.memory_space<vmem>>[vector<16xi32>], vector<16xi32>,
      %mul3A_146 = arith.constant 4 : i32
      %mul3A_147 = arith.muli %add3A_34, %mul3A_146 : i32
      %add3A_148 = arith.constant 1 : i32
      %add3A_149 = arith.addi %mul3A_147, %add3A_148 : i32
      %swap3A_150 = arith.index_cast %add3A_149 : i32 to index
      %swap3A_151 = arith.constant 16 : index
      %swap3A_152 = tpu.vector_load %arg6[%swap3A_150, %swap3A_151] {strides = array<i32>} : memref<80x128xi32, #tpu.memory_space<vmem>>, vector<16xi32>,
      tpu.vector_store %arg6[%swap3A_150, %swap3A_151], %gather3A_145 {strides = array<i32>} : memref<80x128xi32, #tpu.memory_space<vmem>>, vector<16xi32>,
      %add3A_153 = arith.constant 3200 : i32
      %add3A_154 = arith.addi %add3A_153, %add3A_34 : i32
      %add3A_155 = vector.broadcast %add3A_154 : i32 to vector<16xi32>
      %add3A_156 = arith.addi %mul3A_14, %add3A_155 : vector<16xi32>
      %gather3A_157 = tpu.vector_load_idx %arg5[%add3A_156] : memref<10240xi32, #tpu.memory_space<vmem>>[vector<16xi32>], vector<16xi32>,
      %mul3A_158 = arith.constant 4 : i32
      %mul3A_159 = arith.muli %add3A_34, %mul3A_158 : i32
      %add3A_160 = arith.constant 1 : i32
      %add3A_161 = arith.addi %mul3A_159, %add3A_160 : i32
      %swap3A_162 = arith.index_cast %add3A_161 : i32 to index
      %swap3A_163 = arith.constant 32 : index
      %swap3A_164 = tpu.vector_load %arg6[%swap3A_162, %swap3A_163] {strides = array<i32>} : memref<80x128xi32, #tpu.memory_space<vmem>>, vector<16xi32>,
      tpu.vector_store %arg6[%swap3A_162, %swap3A_163], %gather3A_157 {strides = array<i32>} : memref<80x128xi32, #tpu.memory_space<vmem>>, vector<16xi32>,
      %add3A_165 = arith.constant 3520 : i32
      %add3A_166 = arith.addi %add3A_165, %add3A_34 : i32
      %add3A_167 = vector.broadcast %add3A_166 : i32 to vector<16xi32>
      %add3A_168 = arith.addi %mul3A_14, %add3A_167 : vector<16xi32>
      %gather3A_169 = tpu.vector_load_idx %arg5[%add3A_168] : memref<10240xi32, #tpu.memory_space<vmem>>[vector<16xi32>], vector<16xi32>,
      %mul3A_170 = arith.constant 4 : i32
      %mul3A_171 = arith.muli %add3A_34, %mul3A_170 : i32
      %add3A_172 = arith.constant 1 : i32
      %add3A_173 = arith.addi %mul3A_171, %add3A_172 : i32
      %swap3A_174 = arith.index_cast %add3A_173 : i32 to index
      %swap3A_175 = arith.constant 48 : index
      %swap3A_176 = tpu.vector_load %arg6[%swap3A_174, %swap3A_175] {strides = array<i32>} : memref<80x128xi32, #tpu.memory_space<vmem>>, vector<16xi32>,
      tpu.vector_store %arg6[%swap3A_174, %swap3A_175], %gather3A_169 {strides = array<i32>} : memref<80x128xi32, #tpu.memory_space<vmem>>, vector<16xi32>,
      %add3A_177 = arith.constant 3840 : i32
      %add3A_178 = arith.addi %add3A_177, %add3A_34 : i32
      %add3A_179 = vector.broadcast %add3A_178 : i32 to vector<16xi32>
      %add3A_180 = arith.addi %mul3A_14, %add3A_179 : vector<16xi32>
      %gather3A_181 = tpu.vector_load_idx %arg5[%add3A_180] : memref<10240xi32, #tpu.memory_space<vmem>>[vector<16xi32>], vector<16xi32>,
      %mul3A_182 = arith.constant 4 : i32
      %mul3A_183 = arith.muli %add3A_34, %mul3A_182 : i32
      %add3A_184 = arith.constant 1 : i32
      %add3A_185 = arith.addi %mul3A_183, %add3A_184 : i32
      %swap3A_186 = arith.index_cast %add3A_185 : i32 to index
      %swap3A_187 = arith.constant 64 : index
      %swap3A_188 = tpu.vector_load %arg6[%swap3A_186, %swap3A_187] {strides = array<i32>} : memref<80x128xi32, #tpu.memory_space<vmem>>, vector<16xi32>,
      tpu.vector_store %arg6[%swap3A_186, %swap3A_187], %gather3A_181 {strides = array<i32>} : memref<80x128xi32, #tpu.memory_space<vmem>>, vector<16xi32>,
      %add3A_189 = arith.constant 4160 : i32
      %add3A_190 = arith.addi %add3A_189, %add3A_34 : i32
      %add3A_191 = vector.broadcast %add3A_190 : i32 to vector<16xi32>
      %add3A_192 = arith.addi %mul3A_14, %add3A_191 : vector<16xi32>
      %gather3A_193 = tpu.vector_load_idx %arg5[%add3A_192] : memref<10240xi32, #tpu.memory_space<vmem>>[vector<16xi32>], vector<16xi32>,
      %mul3A_194 = arith.constant 4 : i32
      %mul3A_195 = arith.muli %add3A_34, %mul3A_194 : i32
      %add3A_196 = arith.constant 1 : i32
      %add3A_197 = arith.addi %mul3A_195, %add3A_196 : i32
      %swap3A_198 = arith.index_cast %add3A_197 : i32 to index
      %swap3A_199 = arith.constant 80 : index
      %swap3A_200 = tpu.vector_load %arg6[%swap3A_198, %swap3A_199] {strides = array<i32>} : memref<80x128xi32, #tpu.memory_space<vmem>>, vector<16xi32>,
      tpu.vector_store %arg6[%swap3A_198, %swap3A_199], %gather3A_193 {strides = array<i32>} : memref<80x128xi32, #tpu.memory_space<vmem>>, vector<16xi32>,
      %add3A_201 = arith.constant 4480 : i32
      %add3A_202 = arith.addi %add3A_201, %add3A_34 : i32
      %add3A_203 = vector.broadcast %add3A_202 : i32 to vector<16xi32>
      %add3A_204 = arith.addi %mul3A_14, %add3A_203 : vector<16xi32>
      %gather3A_205 = tpu.vector_load_idx %arg5[%add3A_204] : memref<10240xi32, #tpu.memory_space<vmem>>[vector<16xi32>], vector<16xi32>,
      %mul3A_206 = arith.constant 4 : i32
      %mul3A_207 = arith.muli %add3A_34, %mul3A_206 : i32
      %add3A_208 = arith.constant 1 : i32
      %add3A_209 = arith.addi %mul3A_207, %add3A_208 : i32
      %swap3A_210 = arith.index_cast %add3A_209 : i32 to index
      %swap3A_211 = arith.constant 96 : index
      %swap3A_212 = tpu.vector_load %arg6[%swap3A_210, %swap3A_211] {strides = array<i32>} : memref<80x128xi32, #tpu.memory_space<vmem>>, vector<16xi32>,
      tpu.vector_store %arg6[%swap3A_210, %swap3A_211], %gather3A_205 {strides = array<i32>} : memref<80x128xi32, #tpu.memory_space<vmem>>, vector<16xi32>,
      %add3A_213 = arith.constant 4800 : i32
      %add3A_214 = arith.addi %add3A_213, %add3A_34 : i32
      %add3A_215 = vector.broadcast %add3A_214 : i32 to vector<16xi32>
      %add3A_216 = arith.addi %mul3A_14, %add3A_215 : vector<16xi32>
      %gather3A_217 = tpu.vector_load_idx %arg5[%add3A_216] : memref<10240xi32, #tpu.memory_space<vmem>>[vector<16xi32>], vector<16xi32>,
      %mul3A_218 = arith.constant 4 : i32
      %mul3A_219 = arith.muli %add3A_34, %mul3A_218 : i32
      %add3A_220 = arith.constant 1 : i32
      %add3A_221 = arith.addi %mul3A_219, %add3A_220 : i32
      %swap3A_222 = arith.index_cast %add3A_221 : i32 to index
      %swap3A_223 = arith.constant 112 : index
      %swap3A_224 = tpu.vector_load %arg6[%swap3A_222, %swap3A_223] {strides = array<i32>} : memref<80x128xi32, #tpu.memory_space<vmem>>, vector<16xi32>,
      tpu.vector_store %arg6[%swap3A_222, %swap3A_223], %gather3A_217 {strides = array<i32>} : memref<80x128xi32, #tpu.memory_space<vmem>>, vector<16xi32>,
      %add3A_225 = arith.constant 5120 : i32
      %add3A_226 = arith.addi %add3A_225, %add3A_34 : i32
      %add3A_227 = vector.broadcast %add3A_226 : i32 to vector<16xi32>
      %add3A_228 = arith.addi %mul3A_14, %add3A_227 : vector<16xi32>
      %gather3A_229 = tpu.vector_load_idx %arg5[%add3A_228] : memref<10240xi32, #tpu.memory_space<vmem>>[vector<16xi32>], vector<16xi32>,
      %mul3A_230 = arith.constant 4 : i32
      %mul3A_231 = arith.muli %add3A_34, %mul3A_230 : i32
      %add3A_232 = arith.constant 2 : i32
      %add3A_233 = arith.addi %mul3A_231, %add3A_232 : i32
      %swap3A_234 = arith.index_cast %add3A_233 : i32 to index
      %swap3A_235 = arith.constant 0 : index
      %swap3A_236 = tpu.vector_load %arg6[%swap3A_234, %swap3A_235] {strides = array<i32>} : memref<80x128xi32, #tpu.memory_space<vmem>>, vector<16xi32>,
      tpu.vector_store %arg6[%swap3A_234, %swap3A_235], %gather3A_229 {strides = array<i32>} : memref<80x128xi32, #tpu.memory_space<vmem>>, vector<16xi32>,
      %add3A_237 = arith.constant 5440 : i32
      %add3A_238 = arith.addi %add3A_237, %add3A_34 : i32
      %add3A_239 = vector.broadcast %add3A_238 : i32 to vector<16xi32>
      %add3A_240 = arith.addi %mul3A_14, %add3A_239 : vector<16xi32>
      %gather3A_241 = tpu.vector_load_idx %arg5[%add3A_240] : memref<10240xi32, #tpu.memory_space<vmem>>[vector<16xi32>], vector<16xi32>,
      %mul3A_242 = arith.constant 4 : i32
      %mul3A_243 = arith.muli %add3A_34, %mul3A_242 : i32
      %add3A_244 = arith.constant 2 : i32
      %add3A_245 = arith.addi %mul3A_243, %add3A_244 : i32
      %swap3A_246 = arith.index_cast %add3A_245 : i32 to index
      %swap3A_247 = arith.constant 16 : index
      %swap3A_248 = tpu.vector_load %arg6[%swap3A_246, %swap3A_247] {strides = array<i32>} : memref<80x128xi32, #tpu.memory_space<vmem>>, vector<16xi32>,
      tpu.vector_store %arg6[%swap3A_246, %swap3A_247], %gather3A_241 {strides = array<i32>} : memref<80x128xi32, #tpu.memory_space<vmem>>, vector<16xi32>,
      %add3A_249 = arith.constant 5760 : i32
      %add3A_250 = arith.addi %add3A_249, %add3A_34 : i32
      %add3A_251 = vector.broadcast %add3A_250 : i32 to vector<16xi32>
      %add3A_252 = arith.addi %mul3A_14, %add3A_251 : vector<16xi32>
      %gather3A_253 = tpu.vector_load_idx %arg5[%add3A_252] : memref<10240xi32, #tpu.memory_space<vmem>>[vector<16xi32>], vector<16xi32>,
      %mul3A_254 = arith.constant 4 : i32
      %mul3A_255 = arith.muli %add3A_34, %mul3A_254 : i32
      %add3A_256 = arith.constant 2 : i32
      %add3A_257 = arith.addi %mul3A_255, %add3A_256 : i32
      %swap3A_258 = arith.index_cast %add3A_257 : i32 to index
      %swap3A_259 = arith.constant 32 : index
      %swap3A_260 = tpu.vector_load %arg6[%swap3A_258, %swap3A_259] {strides = array<i32>} : memref<80x128xi32, #tpu.memory_space<vmem>>, vector<16xi32>,
      tpu.vector_store %arg6[%swap3A_258, %swap3A_259], %gather3A_253 {strides = array<i32>} : memref<80x128xi32, #tpu.memory_space<vmem>>, vector<16xi32>,
      %add3A_261 = arith.constant 6080 : i32
      %add3A_262 = arith.addi %add3A_261, %add3A_34 : i32
      %add3A_263 = vector.broadcast %add3A_262 : i32 to vector<16xi32>
      %add3A_264 = arith.addi %mul3A_14, %add3A_263 : vector<16xi32>
      %gather3A_265 = tpu.vector_load_idx %arg5[%add3A_264] : memref<10240xi32, #tpu.memory_space<vmem>>[vector<16xi32>], vector<16xi32>,
      %mul3A_266 = arith.constant 4 : i32
      %mul3A_267 = arith.muli %add3A_34, %mul3A_266 : i32
      %add3A_268 = arith.constant 2 : i32
      %add3A_269 = arith.addi %mul3A_267, %add3A_268 : i32
      %swap3A_270 = arith.index_cast %add3A_269 : i32 to index
      %swap3A_271 = arith.constant 48 : index
      %swap3A_272 = tpu.vector_load %arg6[%swap3A_270, %swap3A_271] {strides = array<i32>} : memref<80x128xi32, #tpu.memory_space<vmem>>, vector<16xi32>,
      tpu.vector_store %arg6[%swap3A_270, %swap3A_271], %gather3A_265 {strides = array<i32>} : memref<80x128xi32, #tpu.memory_space<vmem>>, vector<16xi32>,
      %add3A_273 = arith.constant 6400 : i32
      %add3A_274 = arith.addi %add3A_273, %add3A_34 : i32
      %add3A_275 = vector.broadcast %add3A_274 : i32 to vector<16xi32>
      %add3A_276 = arith.addi %mul3A_14, %add3A_275 : vector<16xi32>
      %gather3A_277 = tpu.vector_load_idx %arg5[%add3A_276] : memref<10240xi32, #tpu.memory_space<vmem>>[vector<16xi32>], vector<16xi32>,
      %mul3A_278 = arith.constant 4 : i32
      %mul3A_279 = arith.muli %add3A_34, %mul3A_278 : i32
      %add3A_280 = arith.constant 2 : i32
      %add3A_281 = arith.addi %mul3A_279, %add3A_280 : i32
      %swap3A_282 = arith.index_cast %add3A_281 : i32 to index
      %swap3A_283 = arith.constant 64 : index
      %swap3A_284 = tpu.vector_load %arg6[%swap3A_282, %swap3A_283] {strides = array<i32>} : memref<80x128xi32, #tpu.memory_space<vmem>>, vector<16xi32>,
      tpu.vector_store %arg6[%swap3A_282, %swap3A_283], %gather3A_277 {strides = array<i32>} : memref<80x128xi32, #tpu.memory_space<vmem>>, vector<16xi32>,
      %add3A_285 = arith.constant 6720 : i32
      %add3A_286 = arith.addi %add3A_285, %add3A_34 : i32
      %add3A_287 = vector.broadcast %add3A_286 : i32 to vector<16xi32>
      %add3A_288 = arith.addi %mul3A_14, %add3A_287 : vector<16xi32>
      %gather3A_289 = tpu.vector_load_idx %arg5[%add3A_288] : memref<10240xi32, #tpu.memory_space<vmem>>[vector<16xi32>], vector<16xi32>,
      %mul3A_290 = arith.constant 4 : i32
      %mul3A_291 = arith.muli %add3A_34, %mul3A_290 : i32
      %add3A_292 = arith.constant 2 : i32
      %add3A_293 = arith.addi %mul3A_291, %add3A_292 : i32
      %swap3A_294 = arith.index_cast %add3A_293 : i32 to index
      %swap3A_295 = arith.constant 80 : index
      %swap3A_296 = tpu.vector_load %arg6[%swap3A_294, %swap3A_295] {strides = array<i32>} : memref<80x128xi32, #tpu.memory_space<vmem>>, vector<16xi32>,
      tpu.vector_store %arg6[%swap3A_294, %swap3A_295], %gather3A_289 {strides = array<i32>} : memref<80x128xi32, #tpu.memory_space<vmem>>, vector<16xi32>,
      %add3A_297 = arith.constant 7040 : i32
      %add3A_298 = arith.addi %add3A_297, %add3A_34 : i32
      %add3A_299 = vector.broadcast %add3A_298 : i32 to vector<16xi32>
      %add3A_300 = arith.addi %mul3A_14, %add3A_299 : vector<16xi32>
      %gather3A_301 = tpu.vector_load_idx %arg5[%add3A_300] : memref<10240xi32, #tpu.memory_space<vmem>>[vector<16xi32>], vector<16xi32>,
      %mul3A_302 = arith.constant 4 : i32
      %mul3A_303 = arith.muli %add3A_34, %mul3A_302 : i32
      %add3A_304 = arith.constant 2 : i32
      %add3A_305 = arith.addi %mul3A_303, %add3A_304 : i32
      %swap3A_306 = arith.index_cast %add3A_305 : i32 to index
      %swap3A_307 = arith.constant 96 : index
      %swap3A_308 = tpu.vector_load %arg6[%swap3A_306, %swap3A_307] {strides = array<i32>} : memref<80x128xi32, #tpu.memory_space<vmem>>, vector<16xi32>,
      tpu.vector_store %arg6[%swap3A_306, %swap3A_307], %gather3A_301 {strides = array<i32>} : memref<80x128xi32, #tpu.memory_space<vmem>>, vector<16xi32>,
      %add3A_309 = arith.constant 7360 : i32
      %add3A_310 = arith.addi %add3A_309, %add3A_34 : i32
      %add3A_311 = vector.broadcast %add3A_310 : i32 to vector<16xi32>
      %add3A_312 = arith.addi %mul3A_14, %add3A_311 : vector<16xi32>
      %gather3A_313 = tpu.vector_load_idx %arg5[%add3A_312] : memref<10240xi32, #tpu.memory_space<vmem>>[vector<16xi32>], vector<16xi32>,
      %mul3A_314 = arith.constant 4 : i32
      %mul3A_315 = arith.muli %add3A_34, %mul3A_314 : i32
      %add3A_316 = arith.constant 2 : i32
      %add3A_317 = arith.addi %mul3A_315, %add3A_316 : i32
      %swap3A_318 = arith.index_cast %add3A_317 : i32 to index
      %swap3A_319 = arith.constant 112 : index
      %swap3A_320 = tpu.vector_load %arg6[%swap3A_318, %swap3A_319] {strides = array<i32>} : memref<80x128xi32, #tpu.memory_space<vmem>>, vector<16xi32>,
      tpu.vector_store %arg6[%swap3A_318, %swap3A_319], %gather3A_313 {strides = array<i32>} : memref<80x128xi32, #tpu.memory_space<vmem>>, vector<16xi32>,
      %add3A_321 = arith.constant 7680 : i32
      %add3A_322 = arith.addi %add3A_321, %add3A_34 : i32
      %add3A_323 = vector.broadcast %add3A_322 : i32 to vector<16xi32>
      %add3A_324 = arith.addi %mul3A_14, %add3A_323 : vector<16xi32>
      %gather3A_325 = tpu.vector_load_idx %arg5[%add3A_324] : memref<10240xi32, #tpu.memory_space<vmem>>[vector<16xi32>], vector<16xi32>,
      %mul3A_326 = arith.constant 4 : i32
      %mul3A_327 = arith.muli %add3A_34, %mul3A_326 : i32
      %add3A_328 = arith.constant 3 : i32
      %add3A_329 = arith.addi %mul3A_327, %add3A_328 : i32
      %swap3A_330 = arith.index_cast %add3A_329 : i32 to index
      %swap3A_331 = arith.constant 0 : index
      %swap3A_332 = tpu.vector_load %arg6[%swap3A_330, %swap3A_331] {strides = array<i32>} : memref<80x128xi32, #tpu.memory_space<vmem>>, vector<16xi32>,
      tpu.vector_store %arg6[%swap3A_330, %swap3A_331], %gather3A_325 {strides = array<i32>} : memref<80x128xi32, #tpu.memory_space<vmem>>, vector<16xi32>,
      %add3A_333 = arith.constant 8000 : i32
      %add3A_334 = arith.addi %add3A_333, %add3A_34 : i32
      %add3A_335 = vector.broadcast %add3A_334 : i32 to vector<16xi32>
      %add3A_336 = arith.addi %mul3A_14, %add3A_335 : vector<16xi32>
      %gather3A_337 = tpu.vector_load_idx %arg5[%add3A_336] : memref<10240xi32, #tpu.memory_space<vmem>>[vector<16xi32>], vector<16xi32>,
      %mul3A_338 = arith.constant 4 : i32
      %mul3A_339 = arith.muli %add3A_34, %mul3A_338 : i32
      %add3A_340 = arith.constant 3 : i32
      %add3A_341 = arith.addi %mul3A_339, %add3A_340 : i32
      %swap3A_342 = arith.index_cast %add3A_341 : i32 to index
      %swap3A_343 = arith.constant 16 : index
      %swap3A_344 = tpu.vector_load %arg6[%swap3A_342, %swap3A_343] {strides = array<i32>} : memref<80x128xi32, #tpu.memory_space<vmem>>, vector<16xi32>,
      tpu.vector_store %arg6[%swap3A_342, %swap3A_343], %gather3A_337 {strides = array<i32>} : memref<80x128xi32, #tpu.memory_space<vmem>>, vector<16xi32>,
      %add3A_345 = arith.constant 8320 : i32
      %add3A_346 = arith.addi %add3A_345, %add3A_34 : i32
      %add3A_347 = vector.broadcast %add3A_346 : i32 to vector<16xi32>
      %add3A_348 = arith.addi %mul3A_14, %add3A_347 : vector<16xi32>
      %gather3A_349 = tpu.vector_load_idx %arg5[%add3A_348] : memref<10240xi32, #tpu.memory_space<vmem>>[vector<16xi32>], vector<16xi32>,
      %mul3A_350 = arith.constant 4 : i32
      %mul3A_351 = arith.muli %add3A_34, %mul3A_350 : i32
      %add3A_352 = arith.constant 3 : i32
      %add3A_353 = arith.addi %mul3A_351, %add3A_352 : i32
      %swap3A_354 = arith.index_cast %add3A_353 : i32 to index
      %swap3A_355 = arith.constant 32 : index
      %swap3A_356 = tpu.vector_load %arg6[%swap3A_354, %swap3A_355] {strides = array<i32>} : memref<80x128xi32, #tpu.memory_space<vmem>>, vector<16xi32>,
      tpu.vector_store %arg6[%swap3A_354, %swap3A_355], %gather3A_349 {strides = array<i32>} : memref<80x128xi32, #tpu.memory_space<vmem>>, vector<16xi32>,
      %add3A_357 = arith.constant 8640 : i32
      %add3A_358 = arith.addi %add3A_357, %add3A_34 : i32
      %add3A_359 = vector.broadcast %add3A_358 : i32 to vector<16xi32>
      %add3A_360 = arith.addi %mul3A_14, %add3A_359 : vector<16xi32>
      %gather3A_361 = tpu.vector_load_idx %arg5[%add3A_360] : memref<10240xi32, #tpu.memory_space<vmem>>[vector<16xi32>], vector<16xi32>,
      %mul3A_362 = arith.constant 4 : i32
      %mul3A_363 = arith.muli %add3A_34, %mul3A_362 : i32
      %add3A_364 = arith.constant 3 : i32
      %add3A_365 = arith.addi %mul3A_363, %add3A_364 : i32
      %swap3A_366 = arith.index_cast %add3A_365 : i32 to index
      %swap3A_367 = arith.constant 48 : index
      %swap3A_368 = tpu.vector_load %arg6[%swap3A_366, %swap3A_367] {strides = array<i32>} : memref<80x128xi32, #tpu.memory_space<vmem>>, vector<16xi32>,
      tpu.vector_store %arg6[%swap3A_366, %swap3A_367], %gather3A_361 {strides = array<i32>} : memref<80x128xi32, #tpu.memory_space<vmem>>, vector<16xi32>,
      %add3A_369 = arith.constant 8960 : i32
      %add3A_370 = arith.addi %add3A_369, %add3A_34 : i32
      %add3A_371 = vector.broadcast %add3A_370 : i32 to vector<16xi32>
      %add3A_372 = arith.addi %mul3A_14, %add3A_371 : vector<16xi32>
      %gather3A_373 = tpu.vector_load_idx %arg5[%add3A_372] : memref<10240xi32, #tpu.memory_space<vmem>>[vector<16xi32>], vector<16xi32>,
      %mul3A_374 = arith.constant 4 : i32
      %mul3A_375 = arith.muli %add3A_34, %mul3A_374 : i32
      %add3A_376 = arith.constant 3 : i32
      %add3A_377 = arith.addi %mul3A_375, %add3A_376 : i32
      %swap3A_378 = arith.index_cast %add3A_377 : i32 to index
      %swap3A_379 = arith.constant 64 : index
      %swap3A_380 = tpu.vector_load %arg6[%swap3A_378, %swap3A_379] {strides = array<i32>} : memref<80x128xi32, #tpu.memory_space<vmem>>, vector<16xi32>,
      tpu.vector_store %arg6[%swap3A_378, %swap3A_379], %gather3A_373 {strides = array<i32>} : memref<80x128xi32, #tpu.memory_space<vmem>>, vector<16xi32>,
      %add3A_381 = arith.constant 9280 : i32
      %add3A_382 = arith.addi %add3A_381, %add3A_34 : i32
      %add3A_383 = vector.broadcast %add3A_382 : i32 to vector<16xi32>
      %add3A_384 = arith.addi %mul3A_14, %add3A_383 : vector<16xi32>
      %gather3A_385 = tpu.vector_load_idx %arg5[%add3A_384] : memref<10240xi32, #tpu.memory_space<vmem>>[vector<16xi32>], vector<16xi32>,
      %mul3A_386 = arith.constant 4 : i32
      %mul3A_387 = arith.muli %add3A_34, %mul3A_386 : i32
      %add3A_388 = arith.constant 3 : i32
      %add3A_389 = arith.addi %mul3A_387, %add3A_388 : i32
      %swap3A_390 = arith.index_cast %add3A_389 : i32 to index
      %swap3A_391 = arith.constant 80 : index
      %swap3A_392 = tpu.vector_load %arg6[%swap3A_390, %swap3A_391] {strides = array<i32>} : memref<80x128xi32, #tpu.memory_space<vmem>>, vector<16xi32>,
      tpu.vector_store %arg6[%swap3A_390, %swap3A_391], %gather3A_385 {strides = array<i32>} : memref<80x128xi32, #tpu.memory_space<vmem>>, vector<16xi32>,
      %add3A_393 = arith.constant 9600 : i32
      %add3A_394 = arith.addi %add3A_393, %add3A_34 : i32
      %add3A_395 = vector.broadcast %add3A_394 : i32 to vector<16xi32>
      %add3A_396 = arith.addi %mul3A_14, %add3A_395 : vector<16xi32>
      %gather3A_397 = tpu.vector_load_idx %arg5[%add3A_396] : memref<10240xi32, #tpu.memory_space<vmem>>[vector<16xi32>], vector<16xi32>,
      %mul3A_398 = arith.constant 4 : i32
      %mul3A_399 = arith.muli %add3A_34, %mul3A_398 : i32
      %add3A_400 = arith.constant 3 : i32
      %add3A_401 = arith.addi %mul3A_399, %add3A_400 : i32
      %swap3A_402 = arith.index_cast %add3A_401 : i32 to index
      %swap3A_403 = arith.constant 96 : index
      %swap3A_404 = tpu.vector_load %arg6[%swap3A_402, %swap3A_403] {strides = array<i32>} : memref<80x128xi32, #tpu.memory_space<vmem>>, vector<16xi32>,
      tpu.vector_store %arg6[%swap3A_402, %swap3A_403], %gather3A_397 {strides = array<i32>} : memref<80x128xi32, #tpu.memory_space<vmem>>, vector<16xi32>,
      %add3A_405 = arith.constant 9920 : i32
      %add3A_406 = arith.addi %add3A_405, %add3A_34 : i32
      %add3A_407 = vector.broadcast %add3A_406 : i32 to vector<16xi32>
      %add3A_408 = arith.addi %mul3A_14, %add3A_407 : vector<16xi32>
      %gather3A_409 = tpu.vector_load_idx %arg5[%add3A_408] : memref<10240xi32, #tpu.memory_space<vmem>>[vector<16xi32>], vector<16xi32>,
      %mul3A_410 = arith.constant 4 : i32
      %mul3A_411 = arith.muli %add3A_34, %mul3A_410 : i32
      %add3A_412 = arith.constant 3 : i32
      %add3A_413 = arith.addi %mul3A_411, %add3A_412 : i32
      %swap3A_414 = arith.index_cast %add3A_413 : i32 to index
      %swap3A_415 = arith.constant 112 : index
      %swap3A_416 = tpu.vector_load %arg6[%swap3A_414, %swap3A_415] {strides = array<i32>} : memref<80x128xi32, #tpu.memory_space<vmem>>, vector<16xi32>,
      tpu.vector_store %arg6[%swap3A_414, %swap3A_415], %gather3A_409 {strides = array<i32>} : memref<80x128xi32, #tpu.memory_space<vmem>>, vector<16xi32>,
      %mul3A_417 = arith.constant 4 : i32
      %mul3A_418 = arith.muli %add3A_34, %mul3A_417 : i32
      %add3A_419 = arith.constant 0 : i32
      %add3A_420 = arith.addi %mul3A_418, %add3A_419 : i32
      %dma_start3A_421 = arith.constant 0 : i32
      %dma_start3A_422 = arith.constant 0 : i32
      %dma_start3A_423 = tpu.memref_slice %arg7[%dma_start3A_421, %dma_start3A_422] : memref<512x64xf32, #tpu.memory_space<vmem>> -> memref<128x64xf32, #tpu.memory_space<vmem>>
      %dma_start3A_424 = arith.constant 0 : i32
      %dma_start3A_425 = tpu.memref_slice %arg6[%add3A_420, %dma_start3A_424] : memref<80x128xi32, #tpu.memory_space<vmem>> -> memref<1x128xi32, #tpu.memory_space<vmem>>
      %dma_start3A_426 = tpu.memref_squeeze %dma_start3A_425 : memref<1x128xi32, #tpu.memory_space<vmem>> -> memref<128xi32, #tpu.memory_space<vmem>>
      %dma_start3A_427 = arith.constant 0 : i32
      %dma_start3A_428 = arith.constant 0 : i32
      %dma_start3A_429 = tpu.memref_slice %arg3[%dma_start3A_427, %dma_start3A_428] : memref<1000000x64xf32, #tpu.memory_space<hbm>> -> memref<1000000x64xf32, #tpu.memory_space<hbm>>
      tpu.enqueue_indirect_dma source(%dma_start3A_429 : memref<1000000x64xf32, #tpu.memory_space<hbm>>) target(%dma_start3A_423 : memref<128x64xf32, #tpu.memory_space<vmem>>) offsets(%dma_start3A_426 : memref<128xi32, #tpu.memory_space<vmem>>) semaphore(%arg9 : memref<!tpu.dma_semaphore, #tpu.memory_space<semaphore_mem>>) {add = true}
      %mul3A_430 = arith.constant 4 : i32
      %mul3A_431 = arith.muli %add3A_34, %mul3A_430 : i32
      %add3A_432 = arith.constant 1 : i32
      %add3A_433 = arith.addi %mul3A_431, %add3A_432 : i32
      %dma_start3A_434 = arith.constant 128 : i32
      %dma_start3A_435 = arith.constant 0 : i32
      %dma_start3A_436 = tpu.memref_slice %arg7[%dma_start3A_434, %dma_start3A_435] : memref<512x64xf32, #tpu.memory_space<vmem>> -> memref<128x64xf32, #tpu.memory_space<vmem>>
      %dma_start3A_437 = arith.constant 0 : i32
      %dma_start3A_438 = tpu.memref_slice %arg6[%add3A_433, %dma_start3A_437] : memref<80x128xi32, #tpu.memory_space<vmem>> -> memref<1x128xi32, #tpu.memory_space<vmem>>
      %dma_start3A_439 = tpu.memref_squeeze %dma_start3A_438 : memref<1x128xi32, #tpu.memory_space<vmem>> -> memref<128xi32, #tpu.memory_space<vmem>>
      %dma_start3A_440 = arith.constant 0 : i32
      %dma_start3A_441 = arith.constant 0 : i32
      %dma_start3A_442 = tpu.memref_slice %arg3[%dma_start3A_440, %dma_start3A_441] : memref<1000000x64xf32, #tpu.memory_space<hbm>> -> memref<1000000x64xf32, #tpu.memory_space<hbm>>
      tpu.enqueue_indirect_dma source(%dma_start3A_442 : memref<1000000x64xf32, #tpu.memory_space<hbm>>) target(%dma_start3A_436 : memref<128x64xf32, #tpu.memory_space<vmem>>) offsets(%dma_start3A_439 : memref<128xi32, #tpu.memory_space<vmem>>) semaphore(%arg9 : memref<!tpu.dma_semaphore, #tpu.memory_space<semaphore_mem>>) {add = true}
      %mul3A_443 = arith.constant 4 : i32
      %mul3A_444 = arith.muli %add3A_34, %mul3A_443 : i32
      %add3A_445 = arith.constant 2 : i32
      %add3A_446 = arith.addi %mul3A_444, %add3A_445 : i32
      %dma_start3A_447 = arith.constant 256 : i32
      %dma_start3A_448 = arith.constant 0 : i32
      %dma_start3A_449 = tpu.memref_slice %arg7[%dma_start3A_447, %dma_start3A_448] : memref<512x64xf32, #tpu.memory_space<vmem>> -> memref<128x64xf32, #tpu.memory_space<vmem>>
      %dma_start3A_450 = arith.constant 0 : i32
      %dma_start3A_451 = tpu.memref_slice %arg6[%add3A_446, %dma_start3A_450] : memref<80x128xi32, #tpu.memory_space<vmem>> -> memref<1x128xi32, #tpu.memory_space<vmem>>
      %dma_start3A_452 = tpu.memref_squeeze %dma_start3A_451 : memref<1x128xi32, #tpu.memory_space<vmem>> -> memref<128xi32, #tpu.memory_space<vmem>>
      %dma_start3A_453 = arith.constant 0 : i32
      %dma_start3A_454 = arith.constant 0 : i32
      %dma_start3A_455 = tpu.memref_slice %arg3[%dma_start3A_453, %dma_start3A_454] : memref<1000000x64xf32, #tpu.memory_space<hbm>> -> memref<1000000x64xf32, #tpu.memory_space<hbm>>
      tpu.enqueue_indirect_dma source(%dma_start3A_455 : memref<1000000x64xf32, #tpu.memory_space<hbm>>) target(%dma_start3A_449 : memref<128x64xf32, #tpu.memory_space<vmem>>) offsets(%dma_start3A_452 : memref<128xi32, #tpu.memory_space<vmem>>) semaphore(%arg9 : memref<!tpu.dma_semaphore, #tpu.memory_space<semaphore_mem>>) {add = true}
      %mul3A_456 = arith.constant 4 : i32
      %mul3A_457 = arith.muli %add3A_34, %mul3A_456 : i32
      %add3A_458 = arith.constant 3 : i32
      %add3A_459 = arith.addi %mul3A_457, %add3A_458 : i32
      %dma_start3A_460 = arith.constant 384 : i32
      %dma_start3A_461 = arith.constant 0 : i32
      %dma_start3A_462 = tpu.memref_slice %arg7[%dma_start3A_460, %dma_start3A_461] : memref<512x64xf32, #tpu.memory_space<vmem>> -> memref<128x64xf32, #tpu.memory_space<vmem>>
      %dma_start3A_463 = arith.constant 0 : i32
      %dma_start3A_464 = tpu.memref_slice %arg6[%add3A_459, %dma_start3A_463] : memref<80x128xi32, #tpu.memory_space<vmem>> -> memref<1x128xi32, #tpu.memory_space<vmem>>
      %dma_start3A_465 = tpu.memref_squeeze %dma_start3A_464 : memref<1x128xi32, #tpu.memory_space<vmem>> -> memref<128xi32, #tpu.memory_space<vmem>>
      %dma_start3A_466 = arith.constant 0 : i32
      %dma_start3A_467 = arith.constant 0 : i32
      %dma_start3A_468 = tpu.memref_slice %arg3[%dma_start3A_466, %dma_start3A_467] : memref<1000000x64xf32, #tpu.memory_space<hbm>> -> memref<1000000x64xf32, #tpu.memory_space<hbm>>
      tpu.enqueue_indirect_dma source(%dma_start3A_468 : memref<1000000x64xf32, #tpu.memory_space<hbm>>) target(%dma_start3A_462 : memref<128x64xf32, #tpu.memory_space<vmem>>) offsets(%dma_start3A_465 : memref<128xi32, #tpu.memory_space<vmem>>) semaphore(%arg9 : memref<!tpu.dma_semaphore, #tpu.memory_space<semaphore_mem>>) {add = true}
    }
    %scan3A_19 = arith.constant 20 : i32
    %scan3A_20 = arith.constant 0 : i32
    %scan3A_21 = arith.constant 80 : i32
    %scan3A_22 = arith.addi %scan3A_20, %scan3A_21 : i32
    %scan3A_23 = arith.constant 1 : i32
    scf.for %scan3A_30 = %scan3A_20 to %scan3A_22 step %scan3A_23  : i32 {
      %mul3A_31 = arith.constant 1 : i32
      %mul3A_32 = arith.muli %scan3A_30, %mul3A_31 : i32
      %add3A_33 = arith.constant 0 : i32
      %add3A_34 = arith.addi %add3A_33, %mul3A_32 : i32
      %dma_wait3A_35 = arith.constant 0 : i32
      %dma_wait3A_36 = arith.constant 0 : i32
      %dma_wait3A_37 = arith.constant 0 : i32
      %dma_wait3A_38 = tpu.memref_slice %arg7[%dma_wait3A_36, %dma_wait3A_37] : memref<512x64xf32, #tpu.memory_space<vmem>> -> memref<128x64xf32, #tpu.memory_space<vmem>>
      %dma_wait3A_39 = arith.constant 0 : i32
      %dma_wait3A_40 = tpu.memref_slice %arg6[%dma_wait3A_35, %dma_wait3A_39] : memref<80x128xi32, #tpu.memory_space<vmem>> -> memref<1x128xi32, #tpu.memory_space<vmem>>
      %dma_wait3A_41 = tpu.memref_squeeze %dma_wait3A_40 : memref<1x128xi32, #tpu.memory_space<vmem>> -> memref<128xi32, #tpu.memory_space<vmem>>
      %dma_wait3A_42 = arith.constant 0 : i32
      %dma_wait3A_43 = arith.constant 0 : i32
      %dma_wait3A_44 = tpu.memref_slice %arg3[%dma_wait3A_42, %dma_wait3A_43] : memref<1000000x64xf32, #tpu.memory_space<hbm>> -> memref<1000000x64xf32, #tpu.memory_space<hbm>>
      tpu.wait_indirect_dma semaphore(%arg9 : memref<!tpu.dma_semaphore, #tpu.memory_space<semaphore_mem>>) src(%dma_wait3A_44 : memref<1000000x64xf32, #tpu.memory_space<hbm>>) dst(%dma_wait3A_38 : memref<128x64xf32, #tpu.memory_space<vmem>>)
    }
    %scan3A_24 = arith.constant 80 : i32
    %scan3A_25 = arith.constant 0 : i32
    %scan3A_26 = arith.constant 512 : i32
    %scan3A_27 = arith.addi %scan3A_25, %scan3A_26 : i32
    %scan3A_28 = arith.constant 1 : i32
    scf.for %scan3A_30 = %scan3A_25 to %scan3A_27 step %scan3A_28  : i32 {
      %mul3A_31 = arith.constant 1 : i32
      %mul3A_32 = arith.muli %scan3A_30, %mul3A_31 : i32
      %add3A_33 = arith.constant 0 : i32
      %add3A_34 = arith.addi %add3A_33, %mul3A_32 : i32
      %get3A = arith.index_cast %add3A_34 : i32 to index
      %get3A_35 = arith.constant 0 : index
      %get3A_36 = tpu.vector_load %arg7[%get3A, %get3A_35] {strides = array<i32>} : memref<512x64xf32, #tpu.memory_space<vmem>>, vector<16xf32>,
      %mul3A_37 = arith.constant 5.000000e-02 : f32
      %mul3A_38 = vector.broadcast %mul3A_37 : f32 to vector<16xf32>
      %mul3A_39 = arith.mulf %get3A_36, %mul3A_38 : vector<16xf32>
      %swap3A = arith.index_cast %add3A_34 : i32 to index
      %swap3A_40 = arith.constant 0 : index
      %swap3A_41 = tpu.vector_load %arg7[%swap3A, %swap3A_40] {strides = array<i32>} : memref<512x64xf32, #tpu.memory_space<vmem>>, vector<16xf32>,
      tpu.vector_store %arg7[%swap3A, %swap3A_40], %mul3A_39 {strides = array<i32>} : memref<512x64xf32, #tpu.memory_space<vmem>>, vector<16xf32>,
      %get3A_42 = arith.index_cast %add3A_34 : i32 to index
      %get3A_43 = arith.constant 16 : index
      %get3A_44 = tpu.vector_load %arg7[%get3A_42, %get3A_43] {strides = array<i32>} : memref<512x64xf32, #tpu.memory_space<vmem>>, vector<16xf32>,
      %mul3A_45 = arith.constant 5.000000e-02 : f32
      %mul3A_46 = vector.broadcast %mul3A_45 : f32 to vector<16xf32>
      %mul3A_47 = arith.mulf %get3A_44, %mul3A_46 : vector<16xf32>
      %swap3A_48 = arith.index_cast %add3A_34 : i32 to index
      %swap3A_49 = arith.constant 16 : index
      %swap3A_50 = tpu.vector_load %arg7[%swap3A_48, %swap3A_49] {strides = array<i32>} : memref<512x64xf32, #tpu.memory_space<vmem>>, vector<16xf32>,
      tpu.vector_store %arg7[%swap3A_48, %swap3A_49], %mul3A_47 {strides = array<i32>} : memref<512x64xf32, #tpu.memory_space<vmem>>, vector<16xf32>,
      %get3A_51 = arith.index_cast %add3A_34 : i32 to index
      %get3A_52 = arith.constant 32 : index
      %get3A_53 = tpu.vector_load %arg7[%get3A_51, %get3A_52] {strides = array<i32>} : memref<512x64xf32, #tpu.memory_space<vmem>>, vector<16xf32>,
      %mul3A_54 = arith.constant 5.000000e-02 : f32
      %mul3A_55 = vector.broadcast %mul3A_54 : f32 to vector<16xf32>
      %mul3A_56 = arith.mulf %get3A_53, %mul3A_55 : vector<16xf32>
      %swap3A_57 = arith.index_cast %add3A_34 : i32 to index
      %swap3A_58 = arith.constant 32 : index
      %swap3A_59 = tpu.vector_load %arg7[%swap3A_57, %swap3A_58] {strides = array<i32>} : memref<512x64xf32, #tpu.memory_space<vmem>>, vector<16xf32>,
      tpu.vector_store %arg7[%swap3A_57, %swap3A_58], %mul3A_56 {strides = array<i32>} : memref<512x64xf32, #tpu.memory_space<vmem>>, vector<16xf32>,
      %get3A_60 = arith.index_cast %add3A_34 : i32 to index
      %get3A_61 = arith.constant 48 : index
      %get3A_62 = tpu.vector_load %arg7[%get3A_60, %get3A_61] {strides = array<i32>} : memref<512x64xf32, #tpu.memory_space<vmem>>, vector<16xf32>,
      %mul3A_63 = arith.constant 5.000000e-02 : f32
      %mul3A_64 = vector.broadcast %mul3A_63 : f32 to vector<16xf32>
      %mul3A_65 = arith.mulf %get3A_62, %mul3A_64 : vector<16xf32>
      %swap3A_66 = arith.index_cast %add3A_34 : i32 to index
      %swap3A_67 = arith.constant 48 : index
      %swap3A_68 = tpu.vector_load %arg7[%swap3A_66, %swap3A_67] {strides = array<i32>} : memref<512x64xf32, #tpu.memory_space<vmem>>, vector<16xf32>,
      tpu.vector_store %arg7[%swap3A_66, %swap3A_67], %mul3A_65 {strides = array<i32>} : memref<512x64xf32, #tpu.memory_space<vmem>>, vector<16xf32>,
    }
    %scan3A_29 = arith.constant 512 : i32
    "tpu.region"() ({
      %run_scoped3A = tpu.sem_alloc : memref<!tpu.dma_semaphore, #tpu.memory_space<semaphore_mem>>
      %dma_start3A_30 = arith.constant 0 : i32
      %dma_start3A_31 = tpu.memref_slice %arg4[%mul3A_2, %dma_start3A_30] : memref<16384x64xf32, #tpu.memory_space<hbm>> -> memref<512x64xf32, #tpu.memory_space<hbm>>
      %dma_start3A_32 = arith.constant 0 : i32
      %dma_start3A_33 = tpu.memref_slice %arg4[%mul3A_2, %dma_start3A_32] : memref<16384x64xf32, #tpu.memory_space<hbm>> -> memref<512x64xf32, #tpu.memory_space<hbm>>
      tpu.enqueue_dma source(%arg7 : memref<512x64xf32, #tpu.memory_space<vmem>>) target(%dma_start3A_33 : memref<512x64xf32, #tpu.memory_space<hbm>>) target_semaphore(%run_scoped3A : memref<!tpu.dma_semaphore, #tpu.memory_space<semaphore_mem>>)
      %dma_wait3A_34 = arith.constant 0 : i32
      %dma_wait3A_35 = tpu.memref_slice %arg4[%mul3A_2, %dma_wait3A_34] : memref<16384x64xf32, #tpu.memory_space<hbm>> -> memref<512x64xf32, #tpu.memory_space<hbm>>
      %dma_wait3A_36 = arith.constant 0 : i32
      %dma_wait3A_37 = tpu.memref_slice %arg4[%mul3A_2, %dma_wait3A_36] : memref<16384x64xf32, #tpu.memory_space<hbm>> -> memref<512x64xf32, #tpu.memory_space<hbm>>
      tpu.wait_dma2 semaphore(%run_scoped3A : memref<!tpu.dma_semaphore, #tpu.memory_space<semaphore_mem>>) src(%arg7 : memref<512x64xf32, #tpu.memory_space<vmem>>) dst(%dma_wait3A_37 : memref<512x64xf32, #tpu.memory_space<hbm>>)
      tpu.yield
    }) : () -> ()
    return
  }
}

</mosaic_0001>

<sc_bundles>
// kernel: kernel.3.cloned.1.call-start
scs
__scs_entry_jumppad:
0x0: {  	(pc) =	sbr.rel $0x88, $3  }
0x1: {  	(tag) =	ssettag $0x0;
	lr =	simm.s32 $0x1  }
0x2: {  	[smem:$0x3F9F] =	sst lr;
	_ =	strace $0xD0000000  }
0x3: {  	_ = 	snop  }
0x4: {  	_ = 	snop  }
0x5: {  	_ = 	snop  }
0x6: {  	_ = 	snop  }
0x7: {  	_ = 	snop  }
__scs_overlays_trampoline_lowered:
0x8: {  	[smem:$0x3FAE] =	sst s0  }
0x9: {  	[smem:$0x3FAF] =	sst s1  }
0xa: {  	[smem:$0x3FB0] =	sst s2  }
0xb: {  	[smem:$0x3FB1] =	sst s3  }
0xc: {  	[smem:$0x3FB2] =	sst s4  }
0xd: {  	[smem:$0x3FB3] =	sst s5  }
0xe: {  	[smem:$0x3FB4] =	sst s6  }
0xf: {  	[smem:$0x3FB5] =	sst s7  }
0x10: {  	[smem:$0x3FB6] =	sst s8  }
0x11: {  	[smem:$0x3FB7] =	sst s9;
	s0 =	simm.s32 @!p0 $0x0  }
0x12: {  	s1 =	sld [smem:$0x3F9D];
	s0 =	simm.s32 @p0 $0x1  }
0x13: {  	[smem:$0x3FB8] =	sst s0;
	s0 =	simm.s32 @!p1 $0x0  }
0x14: {  	s2 =	sld [smem:$0x3F9C];
	s0 =	simm.s32 @p1 $0x1  }
0x15: {  	[smem:$0x3FB9] =	sst s0;
	s0 =	simm.s32 @!p2 $0x0  }
0x16: {  	s3 =	sld [smem:$0x3FDB];
	s0 =	simm.s32 @p2 $0x1  }
0x17: {  	s4 =	simm.s32 $0x1BF5;
	[smem:$0x3FBB] =	sst s0  }
0x18: {  	s0 =	sld [smem:$0x3F9E];
	_ =	swait.ge [sflag:s4], $0x0  }
0x19: {  	s7 =	sld [smem:$0x3F9F]  }
0x1a: {  	s8 =	sadd.s32 $0xFFFFE003, lr  }
0x1b: {  	s9 =	sadd.s32 $0xFFFFFEF7, lr;
	s5 =	simm.s32 $0xFFFFFFFF;
	p2 =	slt.u32 s8, $0xFFFFF086  }
0x1c: {  	p1 =	slt.u32 s9, $0xF7A;
	s5 =	simm.s32 @!p2 $0x0  }
0x1d: {  	s5 =	simm.s32 @p1 $0x1;
	p0 =	seq.s32 s7, s2  }
0x1e: {  	s7 =	smul.u32 @!p0 $0xF7A, s2;
	p2 =	seq.s32 @!p0 s5, $0x0  }
0x1f: {  	s9 =	smul.u32 $0xF7A, s1;
	s8 =	simm.s32 @!p0 $0x1BF5;
	p2 =	por !p2, p0  }
0x20: {  	[sflag:s8] =	ssyncset.s32 @!p0 $0xFFFFF086;
	s6 =	sadd.s32 @!p0 s3, s7;
	s7 =	simm.s32 @!p0 $0x108  }
0x21: {  	s3 =	sadd.s32 s3, s9;
	s6 =	sadd.s32 @!p0 $0x88, s6;
	s7 =	simm.s32 @p2 $0x1082  }
0x22: {  	[simem:s7], [sflag:s8] =	dma.local @!p0 [hbm:s6], $0xF7A  }
0x23: {  	s9 =	sor.u32 $0xD0000000, s2;
	s6 =	simm.s32 $0x108;
	_ =	swait.ge @!p0 [sflag:s8], $0x0  }
0x24: {  	s3 =	sadd.s32 $0x88, s3;
	s6 =	simm.s32 @!p1 $0x1082;
	[sflag:s4] =	ssyncset.s32 $0xFFFFF086  }
0x25: {  	[simem:s6], [sflag:s4] =	dma.local [hbm:s3], $0xF7A  }
0x26: {  	[smem:$0x3F9F] =	sst s1;
	(tag) =	ssettag s2;
	_ =	strace s9  }
0x27: {  	s1 =	sld [smem:$0x3FAF]  }
0x28: {  	s2 =	sld [smem:$0x3FB0]  }
0x29: {  	s4 =	sld [smem:$0x3FB2]  }
0x2a: {  	p0 =	seq.s32 s5, $0x0;
	s5 =	sld [smem:$0x3FB3]  }
0x2b: {  	s6 =	sld [smem:$0x3FB4]  }
0x2c: {  	s7 =	sld [smem:$0x3FB5]  }
0x2d: {  	s3 =	simm.s32 $0x108;
	s8 =	sld [smem:$0x3FB6]  }
0x2e: {  	s3 =	simm.s32 @!p0 $0x1082;
	s9 =	sld [smem:$0x3FB7]  }
0x2f: {  	lr =	sadd.s32 s0, s3;
	s0 =	sld [smem:$0x3FAE]  }
0x30: {  	s3 =	sld [smem:$0x3FB1]  }
0x31: {  	[smem:$0x3FBA] =	sst s10  }
0x32: {  	s10 =	sld [smem:$0x3FB8];
	_ =	sdelay $0x3  }
0x33: {  	p0 =	seq.s32 s10, $0x1;
	s10 =	sld [smem:$0x3FBA];
	_ =	sdelay $0x3  }
0x34: {  	[smem:$0x3FBA] =	sst s10  }
0x35: {  	s10 =	sld [smem:$0x3FB9];
	_ =	sdelay $0x3  }
0x36: {  	p1 =	seq.s32 s10, $0x1;
	s10 =	sld [smem:$0x3FBA];
	_ =	sdelay $0x3  }
0x37: {  	[smem:$0x3FBA] =	sst s10  }
0x38: {  	s10 =	sld [smem:$0x3FBB]  }
0x39: {  	_ = 	snop;
	(pc) =	sbr.ind lr, $3  }
0x3a: {  	_ = 	snop  }
0x3b: {  	_ = 	snop  }
0x3c: {  	p2 =	seq.s32 s10, $0x1;
	s10 =	sld [smem:$0x3FBA]  }
0x3d: {  	_ =	shalt  }
0x3e: {  	_ =	shalt  }
0x3f: {  	_ =	shalt  }
0x40: {  	_ =	shalt  }
0x41: {  	_ =	shalt  }
0x42: {  	_ =	shalt  }
0x43: {  	_ =	shalt  }
0x44: {  	_ =	shalt  }
0x45: {  	_ =	shalt  }
0x46: {  	_ =	shalt  }
0x47: {  	_ =	shalt  }
0x48: {  	_ =	shalt  }
0x49: {  	_ =	shalt  }
0x4a: {  	_ =	shalt  }
0x4b: {  	_ =	shalt  }
0x4c: {  	_ =	shalt  }
0x4d: {  	_ =	shalt  }
0x4e: {  	_ =	shalt  }
0x4f: {  	_ =	shalt  }
0x50: {  	_ =	shalt  }
0x51: {  	_ =	shalt  }
0x52: {  	_ =	shalt  }
0x53: {  	_ =	shalt  }
0x54: {  	_ =	shalt  }
0x55: {  	_ =	shalt  }
0x56: {  	_ =	shalt  }
0x57: {  	_ =	shalt  }
0x58: {  	_ =	shalt  }
0x59: {  	_ =	shalt  }
0x5a: {  	_ =	shalt  }
0x5b: {  	_ =	shalt  }
0x5c: {  	_ =	shalt  }
0x5d: {  	_ =	shalt  }
0x5e: {  	_ =	shalt  }
0x5f: {  	_ =	shalt  }
0x60: {  	_ =	shalt  }
0x61: {  	_ =	shalt  }
0x62: {  	_ =	shalt  }
0x63: {  	_ =	shalt  }
0x64: {  	_ =	shalt  }
0x65: {  	_ =	shalt  }
0x66: {  	_ =	shalt  }
0x67: {  	_ =	shalt  }
0x68: {  	_ =	shalt  }
0x69: {  	_ =	shalt  }
0x6a: {  	_ =	shalt  }
0x6b: {  	_ =	shalt  }
0x6c: {  	_ =	shalt  }
0x6d: {  	_ =	shalt  }
0x6e: {  	_ =	shalt  }
0x6f: {  	_ =	shalt  }
0x70: {  	_ =	shalt  }
0x71: {  	_ =	shalt  }
0x72: {  	_ =	shalt  }
0x73: {  	_ =	shalt  }
0x74: {  	_ =	shalt  }
0x75: {  	_ =	shalt  }
0x76: {  	_ =	shalt  }
0x77: {  	_ =	shalt  }
0x78: {  	_ =	shalt  }
0x79: {  	_ =	shalt  }
0x7a: {  	_ =	shalt  }
0x7b: {  	_ =	shalt  }
0x7c: {  	_ =	shalt  }
0x7d: {  	_ =	shalt  }
0x7e: {  	_ =	shalt  }
0x7f: {  	_ =	shalt  }
0x80: {  	_ =	shalt  }
0x81: {  	_ =	shalt  }
0x82: {  	_ =	shalt  }
0x83: {  	_ =	shalt  }
0x84: {  	_ =	shalt  }
0x85: {  	_ =	shalt  }
0x86: {  	_ =	shalt  }
0x87: {  	_ =	shalt  }
.Lfunc_end0:
.L_simem_size_0:
called_computation_lowered:
.L_overlay_start_0:
0x88: {  	s2 =	sld [smem:$0x3FD9]  }
0x89: {  	s3 =	sld [smem:$0x3FFE];
	_ =	sdelay $0x1  }
0x8a: {  	s1 =	srdreg.scid  }
0x8b: {  	s0 =	sand.u32 $0x1, s1  }
0x8c: {  	s17 =	sshll.u32 s0, $0xA;
	s2 =	sadd.s32 s3, s2  }
0x8d: {  	s2 =	sadd.s32 s2, s17  }
0x8e: {  	[smem:$0x3FC6] =	sst s2  }
0x8f: {  	_ = 	snop  }
0x90: {  	s2 =	sld [smem:$0x3FD0];
	(tm) =	ssettm $0x1  }
0x91: {  	s18 =	sld [smem:$0x3FFB];
	_ =	sdelay $0x3  }
0x92: {  	_ =	strace s18  }
0x93: {  	s3 =	sld [smem:$0x3FFC];
	_ =	sdelay $0x3  }
0x94: {  	_ =	strace s3  }
0x95: {  	s3 =	sld [smem:$0x3FFD];
	_ =	sdelay $0x3  }
0x96: {  	_ =	strace s3  }
0x97: {  	_ =	strace $0x8FFFFFFF  }
0x98: {  	s19 =	sld [smem:$0x3FDB];
	_ =	sdelay $0x1  }
0x99: {  	s4 =	simm.s32 $_scs_section_size  }
0x9a: {  	s5 =	simm.s32 $_size__tile_overlayer_lowered;
	s6 =	simm.s32 $_tile_overlayer_lowered  }
0x9b: {  	s22 =	simm.s32 $0x1BFF;
	s21 =	sshll.u32 s6, $0x1;
	s3 =	sadd.s32 s4, s19  }
0x9c: {  	s7 =	simm.s32 $0x0;
	s20 =	sshll.u32 s5, $0x1;
	s5 =	sadd.s32 s21, s3  }
0x9d: {  	[timem:s7], [sflag:s22] =	dma.local [hbm:s5], s20  }
0x9e: {  	_ =	swait.ge [sflag:s22], s20  }
0x9f: {  	s4 =	ssub.s32 $0x0, s20;
	[sflag:s22] =	ssyncset.done $0x0  }
0xa0: {  	[sflag:s22] =	ssyncadd.s32 s4;
	_ =	sdelay $0x1  }
0xa1: {  	s23 =	simm.s32 $0x1B8B  }
0xa2: {  	_ =	swait.ge [sflag:s23], $0x1  }
0xa3: {  	[sflag:s23] =	ssyncset.done $0x0  }
0xa4: {  	s25 =	simm.s32 $0x1B8E;
	s24 =	sld [smem:$0x3FFE];
	[sflag:s23] =	ssyncadd.s32 $0xFFFFFFFF  }
0xa5: {  	s26 =	simm.s32 $execute0_lowered;
	[smem:$0x3FD2] =	sst s25  }
0xa6: {  	s5 =	sshll.u32 s26, $0x1;
	_ =	strace $0x80000046;
	[dreg:$0x1] =	wrdreg $0xFFFFFFFF  }
0xa7: {  	s28 =	simm.s32 $_size_execute0_lowered;
	s3 =	sadd.s32 s3, s5;
	[dreg:$0x0] =	wrdreg $0x0  }
0xa8: {  	s5 =	sshll.u32 s28, $0x1;
	[dreg:$0x2] =	wrdreg s3  }
0xa9: {  	[dreg:$0x3] =	wrdreg s5  }
0xaa: {  	[dreg:$0x4] =	wrdreg $0xC0  }
0xab: {  	_ =	task [dreg:s7], $0x5FFFF  }
0xac: {  	[dreg:$0x1] =	wrdreg $0xFFFFFFFF  }
0xad: {  	[dreg:$0x0] =	wrdreg $0x60  }
0xae: {  	[dreg:$0x2] =	wrdreg s24  }
0xaf: {  	[dreg:$0x3] =	wrdreg s2  }
0xb0: {  	[dreg:$0x4] =	wrdreg $0x9  }
0xb1: {  	_ =	task.clear_ibuf [dreg:s7], $0x5FFFF;
	_ =	strace $0x90000046  }
0xb2: {  	s29 =	simm.s32 $0x9;
	_ =	strace $0x80000048  }
0xb3: {  	_ =	swait.ge [sflag:s29], $0x1  }
0xb4: {  	[sflag:s29] =	ssyncadd.s32 $0xFFFFFFFF  }
0xb5: {  	_ =	strace $0x90000048  }
0xb6: {  	_ =	sfence  }
0xb7: {  	s30 =	sld [smem:$0x0];
	_ =	sdelay $0x2  }
0xb8: {  	s31 =	sshll.u32 s1, $0xD;
	s1 =	sshrl.u32 s1, $0x2  }
0xb9: {  	s3 =	sand.u32 $0x4000, s31;
	s1 =	sadd.s32 s1, s30  }
0xba: {  	s0 =	sor.u32 s3, s0;
	s1 =	sshll.u32 s1, $0x11  }
0xbb: {  	s0 =	sor.u32 s1, s0  }
0xbc: {  	s0 =	sadd.s32 $0x8F2B, s0  }
0xbd: {  	[sflag:s0] =	ssyncadd.remote.s32 $0x1  }
0xbe: {  	_ =	sfence.sel $0xFFFF  }
0xbf: {  	[dreg:$0x0] =	wrdreg $0xFFFFFFFF;
	(pc) =	sbr.abs _section_cstart, $3  }
0xc0: {  	[dreg:$0x1] =	wrdreg $0xFFFFFFFF  }
0xc1: {  	_ =	task.clear_ibuf [dreg:s7], $0x2FFFF;
	_ =	strace $0x9FFFFFFF  }
0xc2: {  	(tm) =	ssettm $0x7FFFFFFF  }
0xc3: {  	_ =	shalt  }
tec
execute0_lowered:
.L_overlay_start_1:
0x0: {  	(tag) =	ssettag $0x1  }
0x1: {  	s1 =	srdreg.scid  }
0x2: {  	s0 =	stileid.u32;
	s3 =	rddreg [dreg:$0x0]  }
0x3: {  	s5 =	rddreg [dreg:$0x1];
	s2 =	simm.s32 $0x0;
	s30 =	simm.s32 $0x7000  }
0x4: {  	s31 =	simm.s32 $0x9000;
	s4 =	sand.u32 $0x1, s1;
	s1 =	rddreg [dreg:$0x2]  }
0x5: {  	s10 =	simm.s32 $0xB000;
	s9 =	simm.s32 $0x5000;
	[smem:$0x7FF] =	sst s2  }
0x6: {  	s11 =	simm.s32 $0x3;
	_ =	strace $0x80000047;
	[dreg:$0x3] =	wrdreg s30  }
0x7: {  	s12 =	simm.s32 $0x0;
	s29 =	sshll.u32 s0, $0x1;
	[dreg:$0x4] =	wrdreg s31  }
0x8: {  	s6 =	sor.u32 s4, s29;
	s4 =	ssub.s32 $0x2, s4;
	[dreg:$0x5] =	wrdreg s10  }
0x9: {  	s7 =	smul.u32 $0x500, s6;
	s8 =	sshrl.u32 s4, $0x1;
	s6 =	sshll.u32 s6, $0xC  }
0xa: {  	s10 =	simm.s32 $0x2;
	s8 =	ssub.s32 s4, s8;
	s5 =	sadd.s32 s5, s6  }
0xb: {  	v1 =	vlaneseq.u32;
	s7 =	sadd.s32 s7, s3;
	s3 =	sadd.s32 $0xF42A00, s3;
	s6 =	smax.u32 s8, $0x1  }
0xc: {  	v0 =	vimm.f32 $0.0e+00;
	v1 =	vmul.u32 $0x14, v1;
	s8 =	simm.s32 $0x80;
	s4 =	sadd.s32 $0x600, s7;
	s7 =	simm.s32 $0x1  }
.LBB2_1:
0xd: {  	[tilespmem:s2], [sflag:$0x1] =	stream.linear.gather [hbm4b:s4+s2], $0x2800, $0x38;
	[tilespmem:$0xD000] =	vst v63  }
0xe: {  	s14 =	simm.s32 $0x100;
	s13 =	simm.s32 $0x0  }
.LBB2_2:
0xf: {  	p0 =	sne.s32 s14, $0x1FF00;
	[tilespmem:s13+$0x5030] =	vst v0;
	s15 =	smov.u32 s14;
	s14 =	sadd.s32 $0x100, s14  }
.Ltmp0:
0x10: {  	[tilespmem:s13+$0x5020] =	vst v0;
	(pc) =	sbr.rel @p0 .LBB2_2-.Ltmp0, $3  }
0x11: {  	[tilespmem:s13+$0x5000] =	vst v0  }
0x12: {  	[tilespmem:s13+$0x5010] =	vst v0;
	_ =	sdelay $0x1  }
0x13: {  	s13 =	sshra.s32 s15, $0x2  }
0x14: {  	[tilespmem:s13+$0x5030] =	vst v0  }
0x15: {  	[tilespmem:s13+$0x5020] =	vst v0;
	s14 =	simm.s32 $0x0  }
0x16: {  	[tilespmem:s13+$0x5000] =	vst v0;
	v2 =	vadd.s32 s14, v1  }
0x17: {  	[tilespmem:s13+$0x5010] =	vst v0  }
0x18: {  	_ =	swait.ge [sflag:s7], $0x2800  }
0x19: {  	[sflag:s7] =	ssyncset.done $0x0  }
0x1a: {  	[sflag:s7] =	ssyncadd.s32 $0xFFFFD800  }
0x1b: {  	s14 =	simm.s32 $0x140;
	v2 =	vld.idx.msk [tilespmem:v2+s2+$0x0], $0xffff  }
0x1c: {  	v3 =	vadd.s32 s14, v1;
	_ =	sdelay $0x2  }
0x1d: {  	s13 =	simm.s32 $0x2900  }
0x1e: {  	[tilespmem:s13+$0xFFFFFF00] =	vst v2  }
0x1f: {  	s15 =	simm.s32 $0x280;
	v2 =	vld.idx.msk [tilespmem:v3+s2+$0x0], $0xffff  }
0x20: {  	v3 =	vadd.s32 s15, v1;
	_ =	sdelay $0x3  }
0x21: {  	[tilespmem:s13+$0xFFFFFF10] =	vst v2  }
0x22: {  	s16 =	simm.s32 $0x3C0;
	v2 =	vld.idx.msk [tilespmem:v3+s2+$0x0], $0xffff  }
0x23: {  	v3 =	vadd.s32 s16, v1;
	_ =	sdelay $0x3  }
0x24: {  	[tilespmem:s13+$0xFFFFFF20] =	vst v2  }
0x25: {  	s17 =	simm.s32 $0x500;
	v2 =	vld.idx.msk [tilespmem:v3+s2+$0x0], $0xffff  }
0x26: {  	v3 =	vadd.s32 s17, v1;
	_ =	sdelay $0x3  }
0x27: {  	[tilespmem:s13+$0xFFFFFF30] =	vst v2  }
0x28: {  	s18 =	simm.s32 $0x640;
	v2 =	vld.idx.msk [tilespmem:v3+s2+$0x0], $0xffff  }
0x29: {  	v3 =	vadd.s32 s18, v1;
	_ =	sdelay $0x3  }
0x2a: {  	[tilespmem:s13+$0xFFFFFF40] =	vst v2  }
0x2b: {  	s19 =	simm.s32 $0x780;
	v2 =	vld.idx.msk [tilespmem:v3+s2+$0x0], $0xffff  }
0x2c: {  	v3 =	vadd.s32 s19, v1;
	_ =	sdelay $0x3  }
0x2d: {  	[tilespmem:s13+$0xFFFFFF50] =	vst v2  }
0x2e: {  	s20 =	simm.s32 $0x8C0;
	v2 =	vld.idx.msk [tilespmem:v3+s2+$0x0], $0xffff  }
0x2f: {  	v3 =	vadd.s32 s20, v1;
	_ =	sdelay $0x3  }
0x30: {  	[tilespmem:s13+$0xFFFFFF60] =	vst v2  }
0x31: {  	s21 =	simm.s32 $0xA00;
	v2 =	vld.idx.msk [tilespmem:v3+s2+$0x0], $0xffff  }
0x32: {  	v3 =	vadd.s32 s21, v1;
	_ =	sdelay $0x3  }
0x33: {  	[tilespmem:s13+$0xFFFFFF70] =	vst v2  }
0x34: {  	s22 =	simm.s32 $0xB40;
	v2 =	vld.idx.msk [tilespmem:v3+s2+$0x0], $0xffff  }
0x35: {  	v3 =	vadd.s32 s22, v1;
	_ =	sdelay $0x3  }
0x36: {  	[tilespmem:s13+$0xFFFFFF80] =	vst v2  }
0x37: {  	s23 =	simm.s32 $0xC80;
	v2 =	vld.idx.msk [tilespmem:v3+s2+$0x0], $0xffff  }
0x38: {  	v3 =	vadd.s32 s23, v1;
	_ =	sdelay $0x3  }
0x39: {  	[tilespmem:s13+$0xFFFFFF90] =	vst v2  }
0x3a: {  	s24 =	simm.s32 $0xDC0;
	v2 =	vld.idx.msk [tilespmem:v3+s2+$0x0], $0xffff  }
0x3b: {  	v3 =	vadd.s32 s24, v1;
	_ =	sdelay $0x3  }
0x3c: {  	[tilespmem:s13+$0xFFFFFFA0] =	vst v2  }
0x3d: {  	s25 =	simm.s32 $0xF00;
	v2 =	vld.idx.msk [tilespmem:v3+s2+$0x0], $0xffff  }
0x3e: {  	v3 =	vadd.s32 s25, v1;
	_ =	sdelay $0x3  }
0x3f: {  	[tilespmem:s13+$0xFFFFFFB0] =	vst v2  }
0x40: {  	s26 =	simm.s32 $0x1040;
	v2 =	vld.idx.msk [tilespmem:v3+s2+$0x0], $0xffff  }
0x41: {  	v3 =	vadd.s32 s26, v1;
	_ =	sdelay $0x3  }
0x42: {  	[tilespmem:s13+$0xFFFFFFC0] =	vst v2  }
0x43: {  	s28 =	simm.s32 $0x1180;
	v2 =	vld.idx.msk [tilespmem:v3+s2+$0x0], $0xffff  }
0x44: {  	v3 =	vadd.s32 s28, v1;
	_ =	sdelay $0x3  }
0x45: {  	[tilespmem:s13+$0xFFFFFFD0] =	vst v2  }
0x46: {  	s29 =	simm.s32 $0x12C0;
	v2 =	vld.idx.msk [tilespmem:v3+s2+$0x0], $0xffff  }
0x47: {  	v3 =	vadd.s32 s29, v1;
	_ =	sdelay $0x3  }
0x48: {  	[tilespmem:s13+$0xFFFFFFE0] =	vst v2  }
0x49: {  	s30 =	simm.s32 $0x1400;
	v2 =	vld.idx.msk [tilespmem:v3+s2+$0x0], $0xffff  }
0x4a: {  	v3 =	vadd.s32 s30, v1;
	_ =	sdelay $0x3  }
0x4b: {  	[tilespmem:s13+$0xFFFFFFF0] =	vst v2  }
0x4c: {  	s31 =	simm.s32 $0x1540;
	v2 =	vld.idx.msk [tilespmem:v3+s2+$0x0], $0xffff  }
0x4d: {  	v3 =	vadd.s32 s31, v1;
	_ =	sdelay $0x3  }
0x4e: {  	[tilespmem:s13+$0x0] =	vst v2  }
0x4f: {  	s15 =	simm.s32 $0x1680;
	v2 =	vld.idx.msk [tilespmem:v3+s2+$0x0], $0xffff  }
0x50: {  	v3 =	vadd.s32 s15, v1;
	_ =	sdelay $0x3  }
0x51: {  	[tilespmem:s13+$0x10] =	vst v2  }
0x52: {  	s16 =	simm.s32 $0x17C0;
	v2 =	vld.idx.msk [tilespmem:v3+s2+$0x0], $0xffff  }
0x53: {  	v3 =	vadd.s32 s16, v1;
	_ =	sdelay $0x3  }
0x54: {  	[tilespmem:s13+$0x20] =	vst v2  }
0x55: {  	s17 =	simm.s32 $0x1900;
	v2 =	vld.idx.msk [tilespmem:v3+s2+$0x0], $0xffff  }
0x56: {  	v3 =	vadd.s32 s17, v1;
	_ =	sdelay $0x3  }
0x57: {  	[tilespmem:s13+$0x30] =	vst v2  }
0x58: {  	s18 =	simm.s32 $0x1A40;
	v2 =	vld.idx.msk [tilespmem:v3+s2+$0x0], $0xffff  }
0x59: {  	v3 =	vadd.s32 s18, v1;
	_ =	sdelay $0x3  }
0x5a: {  	[tilespmem:s13+$0x40] =	vst v2  }
0x5b: {  	s19 =	simm.s32 $0x1B80;
	v2 =	vld.idx.msk [tilespmem:v3+s2+$0x0], $0xffff  }
0x5c: {  	v3 =	vadd.s32 s19, v1;
	_ =	sdelay $0x3  }
0x5d: {  	[tilespmem:s13+$0x50] =	vst v2  }
0x5e: {  	s20 =	simm.s32 $0x1CC0;
	v2 =	vld.idx.msk [tilespmem:v3+s2+$0x0], $0xffff  }
0x5f: {  	v3 =	vadd.s32 s20, v1;
	_ =	sdelay $0x3  }
0x60: {  	[tilespmem:s13+$0x60] =	vst v2  }
0x61: {  	s21 =	simm.s32 $0x1E00;
	v2 =	vld.idx.msk [tilespmem:v3+s2+$0x0], $0xffff  }
0x62: {  	v3 =	vadd.s32 s21, v1;
	_ =	sdelay $0x3  }
0x63: {  	[tilespmem:s13+$0x70] =	vst v2  }
0x64: {  	s22 =	simm.s32 $0x1F40;
	v2 =	vld.idx.msk [tilespmem:v3+s2+$0x0], $0xffff  }
0x65: {  	v3 =	vadd.s32 s22, v1;
	_ =	sdelay $0x3  }
0x66: {  	[tilespmem:s13+$0x80] =	vst v2  }
0x67: {  	s23 =	simm.s32 $0x2080;
	v2 =	vld.idx.msk [tilespmem:v3+s2+$0x0], $0xffff  }
0x68: {  	v3 =	vadd.s32 s23, v1;
	_ =	sdelay $0x3  }
0x69: {  	[tilespmem:s13+$0x90] =	vst v2  }
0x6a: {  	s24 =	simm.s32 $0x21C0;
	v2 =	vld.idx.msk [tilespmem:v3+s2+$0x0], $0xffff  }
0x6b: {  	v3 =	vadd.s32 s24, v1;
	_ =	sdelay $0x3  }
0x6c: {  	[tilespmem:s13+$0xA0] =	vst v2  }
0x6d: {  	s25 =	simm.s32 $0x2300;
	v2 =	vld.idx.msk [tilespmem:v3+s2+$0x0], $0xffff  }
0x6e: {  	v3 =	vadd.s32 s25, v1;
	_ =	sdelay $0x3  }
0x6f: {  	[tilespmem:s13+$0xB0] =	vst v2  }
0x70: {  	s26 =	simm.s32 $0x2440;
	v2 =	vld.idx.msk [tilespmem:v3+s2+$0x0], $0xffff  }
0x71: {  	v3 =	vadd.s32 s26, v1;
	_ =	sdelay $0x3  }
0x72: {  	[tilespmem:s13+$0xC0] =	vst v2  }
0x73: {  	s28 =	simm.s32 $0x2580;
	v2 =	vld.idx.msk [tilespmem:v3+s2+$0x0], $0xffff  }
0x74: {  	v3 =	vadd.s32 s28, v1;
	_ =	sdelay $0x3  }
0x75: {  	[tilespmem:s13+$0xD0] =	vst v2  }
0x76: {  	s29 =	simm.s32 $0x26C0;
	v2 =	vld.idx.msk [tilespmem:v3+s2+$0x0], $0xffff  }
0x77: {  	v3 =	vadd.s32 s29, v1;
	_ =	sdelay $0x3  }
0x78: {  	[tilespmem:s13+$0xE0] =	vst v2  }
0x79: {  	v2 =	vld.idx.msk [tilespmem:v3+s2+$0x0], $0xffff;
	_ =	sdelay $0x4  }
0x7a: {  	s30 =	simm.s32 $0x2800;
	[tilespmem:s13+$0xF0] =	vst v2  }
0x7b: {  	[tilespmem:s9], [sflag:$0x2] =	stream.indirect.gather.add.f32 [hbm:s3], $0x40, s30, s8, $0xb8;
	[tilespmem:$0xD000] =	vst v63  }
0x7c: {  	s31 =	simm.s32 $0x2880;
	s15 =	rddreg [dreg:$0x3]  }
0x7d: {  	[tilespmem:s15], [sflag:$0x2] =	stream.indirect.gather.add.f32 [hbm:s3], $0x40, s31, s8, $0xb8;
	[tilespmem:$0xD000] =	vst v63  }
0x7e: {  	s14 =	simm.s32 $0x1;
	s16 =	rddreg [dreg:$0x4];
	s17 =	simm.s32 $0x2980  }
0x7f: {  	[tilespmem:s16], [sflag:$0x2] =	stream.indirect.gather.add.f32 [hbm:s3], $0x40, s13, s8, $0xb8;
	[tilespmem:$0xD000] =	vst v63  }
0x80: {  	v2 =	vadd.s32 s14, v1;
	s15 =	simm.s32 $0x2;
	s16 =	rddreg [dreg:$0x5];
	s13 =	simm.s32 $0x2B00  }
.LBB2_4:
0x81: {  	_ =	sdelay $0x2  }
0x82: {  	[tilespmem:s16], [sflag:$0x2] =	stream.indirect.gather.add.f32 [hbm:s3], $0x40, s17, s8, $0xb8;
	[tilespmem:$0xD000] =	vst v63  }
0x83: {  	s23 =	sadd.s32 $0x140, s14;
	v2 =	vld.idx.msk [tilespmem:v2+s2+$0x0], $0xffff  }
0x84: {  	v3 =	vadd.s32 s23, v1;
	_ =	sdelay $0x3  }
0x85: {  	[tilespmem:s13+$0xFFFFFF00] =	vst v2  }
0x86: {  	s24 =	sadd.s32 $0x280, s14;
	v2 =	vld.idx.msk [tilespmem:v3+s2+$0x0], $0xffff  }
0x87: {  	v3 =	vadd.s32 s24, v1;
	_ =	sdelay $0x3  }
0x88: {  	[tilespmem:s13+$0xFFFFFF10] =	vst v2  }
0x89: {  	s25 =	sadd.s32 $0x3C0, s14;
	v2 =	vld.idx.msk [tilespmem:v3+s2+$0x0], $0xffff  }
0x8a: {  	v3 =	vadd.s32 s25, v1;
	_ =	sdelay $0x3  }
0x8b: {  	[tilespmem:s13+$0xFFFFFF20] =	vst v2  }
0x8c: {  	s26 =	sadd.s32 $0x500, s14;
	v2 =	vld.idx.msk [tilespmem:v3+s2+$0x0], $0xffff  }
0x8d: {  	v3 =	vadd.s32 s26, v1;
	_ =	sdelay $0x3  }
0x8e: {  	[tilespmem:s13+$0xFFFFFF30] =	vst v2  }
0x8f: {  	s28 =	sadd.s32 $0x640, s14;
	v2 =	vld.idx.msk [tilespmem:v3+s2+$0x0], $0xffff  }
0x90: {  	v3 =	vadd.s32 s28, v1;
	_ =	sdelay $0x3  }
0x91: {  	[tilespmem:s13+$0xFFFFFF40] =	vst v2  }
0x92: {  	s29 =	sadd.s32 $0x780, s14;
	v2 =	vld.idx.msk [tilespmem:v3+s2+$0x0], $0xffff  }
0x93: {  	v3 =	vadd.s32 s29, v1;
	_ =	sdelay $0x3  }
0x94: {  	[tilespmem:s13+$0xFFFFFF50] =	vst v2  }
0x95: {  	s30 =	sadd.s32 $0x8C0, s14;
	v2 =	vld.idx.msk [tilespmem:v3+s2+$0x0], $0xffff  }
0x96: {  	v3 =	vadd.s32 s30, v1;
	_ =	sdelay $0x3  }
0x97: {  	[tilespmem:s13+$0xFFFFFF60] =	vst v2  }
0x98: {  	s31 =	sadd.s32 $0xA00, s14;
	v2 =	vld.idx.msk [tilespmem:v3+s2+$0x0], $0xffff  }
0x99: {  	v3 =	vadd.s32 s31, v1;
	_ =	sdelay $0x3  }
0x9a: {  	[tilespmem:s13+$0xFFFFFF70] =	vst v2  }
0x9b: {  	s18 =	sadd.s32 $0xB40, s14;
	v2 =	vld.idx.msk [tilespmem:v3+s2+$0x0], $0xffff  }
0x9c: {  	v3 =	vadd.s32 s18, v1;
	_ =	sdelay $0x3  }
0x9d: {  	[tilespmem:s13+$0xFFFFFF80] =	vst v2  }
0x9e: {  	s19 =	sadd.s32 $0xC80, s14;
	v2 =	vld.idx.msk [tilespmem:v3+s2+$0x0], $0xffff  }
0x9f: {  	v3 =	vadd.s32 s19, v1;
	_ =	sdelay $0x3  }
0xa0: {  	[tilespmem:s13+$0xFFFFFF90] =	vst v2  }
0xa1: {  	s20 =	sadd.s32 $0xDC0, s14;
	v2 =	vld.idx.msk [tilespmem:v3+s2+$0x0], $0xffff  }
0xa2: {  	v3 =	vadd.s32 s20, v1;
	_ =	sdelay $0x3  }
0xa3: {  	[tilespmem:s13+$0xFFFFFFA0] =	vst v2  }
0xa4: {  	s21 =	sadd.s32 $0xF00, s14;
	v2 =	vld.idx.msk [tilespmem:v3+s2+$0x0], $0xffff  }
0xa5: {  	v3 =	vadd.s32 s21, v1;
	_ =	sdelay $0x3  }
0xa6: {  	[tilespmem:s13+$0xFFFFFFB0] =	vst v2  }
0xa7: {  	s22 =	sadd.s32 $0x1040, s14;
	v2 =	vld.idx.msk [tilespmem:v3+s2+$0x0], $0xffff  }
0xa8: {  	v3 =	vadd.s32 s22, v1;
	_ =	sdelay $0x3  }
0xa9: {  	[tilespmem:s13+$0xFFFFFFC0] =	vst v2  }
0xaa: {  	s23 =	sadd.s32 $0x1180, s14;
	v2 =	vld.idx.msk [tilespmem:v3+s2+$0x0], $0xffff  }
0xab: {  	v3 =	vadd.s32 s23, v1;
	_ =	sdelay $0x3  }
0xac: {  	[tilespmem:s13+$0xFFFFFFD0] =	vst v2  }
0xad: {  	s24 =	sadd.s32 $0x12C0, s14;
	v2 =	vld.idx.msk [tilespmem:v3+s2+$0x0], $0xffff  }
0xae: {  	v3 =	vadd.s32 s24, v1;
	_ =	sdelay $0x3  }
0xaf: {  	[tilespmem:s13+$0xFFFFFFE0] =	vst v2  }
0xb0: {  	s25 =	sadd.s32 $0x1400, s14;
	v2 =	vld.idx.msk [tilespmem:v3+s2+$0x0], $0xffff  }
0xb1: {  	v3 =	vadd.s32 s25, v1;
	_ =	sdelay $0x3  }
0xb2: {  	[tilespmem:s13+$0xFFFFFFF0] =	vst v2  }
0xb3: {  	s26 =	sadd.s32 $0x1540, s14;
	v2 =	vld.idx.msk [tilespmem:v3+s2+$0x0], $0xffff  }
0xb4: {  	v3 =	vadd.s32 s26, v1;
	_ =	sdelay $0x3  }
0xb5: {  	[tilespmem:s13+$0x0] =	vst v2  }
0xb6: {  	s28 =	sadd.s32 $0x1680, s14;
	v2 =	vld.idx.msk [tilespmem:v3+s2+$0x0], $0xffff  }
0xb7: {  	v3 =	vadd.s32 s28, v1;
	_ =	sdelay $0x3  }
0xb8: {  	[tilespmem:s13+$0x10] =	vst v2  }
0xb9: {  	s29 =	sadd.s32 $0x17C0, s14;
	v2 =	vld.idx.msk [tilespmem:v3+s2+$0x0], $0xffff  }
0xba: {  	v3 =	vadd.s32 s29, v1;
	_ =	sdelay $0x3  }
0xbb: {  	[tilespmem:s13+$0x20] =	vst v2  }
0xbc: {  	s30 =	sadd.s32 $0x1900, s14;
	v2 =	vld.idx.msk [tilespmem:v3+s2+$0x0], $0xffff  }
0xbd: {  	v3 =	vadd.s32 s30, v1;
	_ =	sdelay $0x3  }
0xbe: {  	[tilespmem:s13+$0x30] =	vst v2  }
0xbf: {  	s31 =	sadd.s32 $0x1A40, s14;
	v2 =	vld.idx.msk [tilespmem:v3+s2+$0x0], $0xffff  }
0xc0: {  	v3 =	vadd.s32 s31, v1;
	_ =	sdelay $0x3  }
0xc1: {  	[tilespmem:s13+$0x40] =	vst v2  }
0xc2: {  	s18 =	sadd.s32 $0x1B80, s14;
	v2 =	vld.idx.msk [tilespmem:v3+s2+$0x0], $0xffff  }
0xc3: {  	v3 =	vadd.s32 s18, v1;
	_ =	sdelay $0x3  }
0xc4: {  	[tilespmem:s13+$0x50] =	vst v2  }
0xc5: {  	s19 =	sadd.s32 $0x1CC0, s14;
	v2 =	vld.idx.msk [tilespmem:v3+s2+$0x0], $0xffff  }
0xc6: {  	v3 =	vadd.s32 s19, v1;
	_ =	sdelay $0x3  }
0xc7: {  	[tilespmem:s13+$0x60] =	vst v2  }
0xc8: {  	s20 =	sadd.s32 $0x1E00, s14;
	v2 =	vld.idx.msk [tilespmem:v3+s2+$0x0], $0xffff  }
0xc9: {  	v3 =	vadd.s32 s20, v1;
	_ =	sdelay $0x3  }
0xca: {  	[tilespmem:s13+$0x70] =	vst v2  }
0xcb: {  	s21 =	sadd.s32 $0x1F40, s14;
	v2 =	vld.idx.msk [tilespmem:v3+s2+$0x0], $0xffff  }
0xcc: {  	v3 =	vadd.s32 s21, v1;
	_ =	sdelay $0x3  }
0xcd: {  	[tilespmem:s13+$0x80] =	vst v2  }
0xce: {  	s22 =	sadd.s32 $0x2080, s14;
	v2 =	vld.idx.msk [tilespmem:v3+s2+$0x0], $0xffff  }
0xcf: {  	v3 =	vadd.s32 s22, v1;
	_ =	sdelay $0x3  }
0xd0: {  	[tilespmem:s13+$0x90] =	vst v2  }
0xd1: {  	s23 =	sadd.s32 $0x21C0, s14;
	v2 =	vld.idx.msk [tilespmem:v3+s2+$0x0], $0xffff  }
0xd2: {  	v3 =	vadd.s32 s23, v1;
	_ =	sdelay $0x3  }
0xd3: {  	[tilespmem:s13+$0xA0] =	vst v2  }
0xd4: {  	s24 =	sadd.s32 $0x2300, s14;
	v2 =	vld.idx.msk [tilespmem:v3+s2+$0x0], $0xffff  }
0xd5: {  	v3 =	vadd.s32 s24, v1;
	_ =	sdelay $0x3  }
0xd6: {  	[tilespmem:s13+$0xB0] =	vst v2  }
0xd7: {  	s25 =	sadd.s32 $0x2440, s14;
	v2 =	vld.idx.msk [tilespmem:v3+s2+$0x0], $0xffff  }
0xd8: {  	v3 =	vadd.s32 s25, v1;
	_ =	sdelay $0x3  }
0xd9: {  	[tilespmem:s13+$0xC0] =	vst v2  }
0xda: {  	s26 =	sadd.s32 $0x2580, s14;
	v2 =	vld.idx.msk [tilespmem:v3+s2+$0x0], $0xffff  }
0xdb: {  	v3 =	vadd.s32 s26, v1;
	_ =	sdelay $0x3  }
0xdc: {  	[tilespmem:s13+$0xD0] =	vst v2  }
0xdd: {  	s28 =	sadd.s32 $0x26C0, s14;
	v2 =	vld.idx.msk [tilespmem:v3+s2+$0x0], $0xffff  }
0xde: {  	v3 =	vadd.s32 s28, v1;
	_ =	sdelay $0x3  }
0xdf: {  	[tilespmem:s13+$0xE0] =	vst v2  }
0xe0: {  	v2 =	vld.idx.msk [tilespmem:v3+s2+$0x0], $0xffff;
	_ =	sdelay $0x4  }
0xe1: {  	p0 =	sne.s32 s15, $0x13;
	s16 =	smov.u32 s15;
	s29 =	sadd.s32 $0xFFFFFF00, s13;
	[tilespmem:s13+$0xF0] =	vst v2  }
0xe2: {  	[tilespmem:s9], [sflag:$0x2] =	stream.indirect.gather.add.f32 [hbm:s3], $0x40, s29, s8, $0xb8;
	[tilespmem:$0xD000] =	vst v63  }
.Ltmp1:
0xe3: {  	s30 =	rddreg [dreg:$0x3];
	s31 =	sadd.s32 $0xFFFFFF80, s13;
	(pc) =	sbr.rel @p0 .LBB2_4-.Ltmp1, $4  }
0xe4: {  	[tilespmem:s30], [sflag:$0x2] =	stream.indirect.gather.add.f32 [hbm:s3], $0x40, s31, s8, $0xb8;
	[tilespmem:$0xD000] =	vst v63  }
0xe5: {  	s15 =	sadd.s32 $0x1, s15;
	s14 =	smov.u32 s16;
	s18 =	rddreg [dreg:$0x4]  }
0xe6: {  	[tilespmem:s18], [sflag:$0x2] =	stream.indirect.gather.add.f32 [hbm:s3], $0x40, s13, s8, $0xb8;
	[tilespmem:$0xD000] =	vst v63  }
0xe7: {  	s17 =	sadd.s32 $0x80, s13;
	s16 =	rddreg [dreg:$0x5];
	v2 =	vadd.s32 s14, v1;
	s13 =	sadd.s32 $0x200, s13  }
0xe8: {  	_ =	sdelay $0x2  }
0xe9: {  	[tilespmem:s16], [sflag:$0x2] =	stream.indirect.gather.add.f32 [hbm:s3], $0x40, s17, s8, $0xb8;
	[tilespmem:$0xD000] =	vst v63  }
0xea: {  	s15 =	sadd.s32 $0x140, s14;
	v2 =	vld.idx.msk [tilespmem:v2+s2+$0x0], $0xffff  }
0xeb: {  	v3 =	vadd.s32 s15, v1;
	_ =	sdelay $0x3  }
0xec: {  	[tilespmem:s13+$0xFFFFFF00] =	vst v2  }
0xed: {  	s25 =	sadd.s32 $0x280, s14;
	v2 =	vld.idx.msk [tilespmem:v3+s2+$0x0], $0xffff  }
0xee: {  	v3 =	vadd.s32 s25, v1;
	_ =	sdelay $0x3  }
0xef: {  	[tilespmem:s13+$0xFFFFFF10] =	vst v2  }
0xf0: {  	s26 =	sadd.s32 $0x3C0, s14;
	v2 =	vld.idx.msk [tilespmem:v3+s2+$0x0], $0xffff  }
0xf1: {  	v3 =	vadd.s32 s26, v1;
	_ =	sdelay $0x3  }
0xf2: {  	[tilespmem:s13+$0xFFFFFF20] =	vst v2  }
0xf3: {  	s28 =	sadd.s32 $0x500, s14;
	v2 =	vld.idx.msk [tilespmem:v3+s2+$0x0], $0xffff  }
0xf4: {  	v3 =	vadd.s32 s28, v1;
	_ =	sdelay $0x3  }
0xf5: {  	[tilespmem:s13+$0xFFFFFF30] =	vst v2  }
0xf6: {  	s29 =	sadd.s32 $0x640, s14;
	v2 =	vld.idx.msk [tilespmem:v3+s2+$0x0], $0xffff  }
0xf7: {  	v3 =	vadd.s32 s29, v1;
	_ =	sdelay $0x3  }
0xf8: {  	[tilespmem:s13+$0xFFFFFF40] =	vst v2  }
0xf9: {  	s30 =	sadd.s32 $0x780, s14;
	v2 =	vld.idx.msk [tilespmem:v3+s2+$0x0], $0xffff  }
0xfa: {  	v3 =	vadd.s32 s30, v1;
	_ =	sdelay $0x3  }
0xfb: {  	[tilespmem:s13+$0xFFFFFF50] =	vst v2  }
0xfc: {  	s31 =	sadd.s32 $0x8C0, s14;
	v2 =	vld.idx.msk [tilespmem:v3+s2+$0x0], $0xffff  }
0xfd: {  	v3 =	vadd.s32 s31, v1;
	_ =	sdelay $0x3  }
0xfe: {  	[tilespmem:s13+$0xFFFFFF60] =	vst v2  }
0xff: {  	s16 =	sadd.s32 $0xA00, s14;
	v2 =	vld.idx.msk [tilespmem:v3+s2+$0x0], $0xffff  }
0x100: {  	v3 =	vadd.s32 s16, v1;
	_ =	sdelay $0x3  }
0x101: {  	[tilespmem:s13+$0xFFFFFF70] =	vst v2  }
0x102: {  	s17 =	sadd.s32 $0xB40, s14;
	v2 =	vld.idx.msk [tilespmem:v3+s2+$0x0], $0xffff  }
0x103: {  	v3 =	vadd.s32 s17, v1;
	_ =	sdelay $0x3  }
0x104: {  	[tilespmem:s13+$0xFFFFFF80] =	vst v2  }
0x105: {  	s18 =	sadd.s32 $0xC80, s14;
	v2 =	vld.idx.msk [tilespmem:v3+s2+$0x0], $0xffff  }
0x106: {  	v3 =	vadd.s32 s18, v1;
	_ =	sdelay $0x3  }
0x107: {  	[tilespmem:s13+$0xFFFFFF90] =	vst v2  }
0x108: {  	s19 =	sadd.s32 $0xDC0, s14;
	v2 =	vld.idx.msk [tilespmem:v3+s2+$0x0], $0xffff  }
0x109: {  	v3 =	vadd.s32 s19, v1;
	_ =	sdelay $0x3  }
0x10a: {  	[tilespmem:s13+$0xFFFFFFA0] =	vst v2  }
0x10b: {  	s20 =	sadd.s32 $0xF00, s14;
	v2 =	vld.idx.msk [tilespmem:v3+s2+$0x0], $0xffff  }
0x10c: {  	v3 =	vadd.s32 s20, v1;
	_ =	sdelay $0x3  }
0x10d: {  	[tilespmem:s13+$0xFFFFFFB0] =	vst v2  }
0x10e: {  	s21 =	sadd.s32 $0x1040, s14;
	v2 =	vld.idx.msk [tilespmem:v3+s2+$0x0], $0xffff  }
0x10f: {  	v3 =	vadd.s32 s21, v1;
	_ =	sdelay $0x3  }
0x110: {  	[tilespmem:s13+$0xFFFFFFC0] =	vst v2  }
0x111: {  	s22 =	sadd.s32 $0x1180, s14;
	v2 =	vld.idx.msk [tilespmem:v3+s2+$0x0], $0xffff  }
0x112: {  	v3 =	vadd.s32 s22, v1;
	_ =	sdelay $0x3  }
0x113: {  	[tilespmem:s13+$0xFFFFFFD0] =	vst v2  }
0x114: {  	s23 =	sadd.s32 $0x12C0, s14;
	v2 =	vld.idx.msk [tilespmem:v3+s2+$0x0], $0xffff  }
0x115: {  	v3 =	vadd.s32 s23, v1;
	_ =	sdelay $0x3  }
0x116: {  	[tilespmem:s13+$0xFFFFFFE0] =	vst v2  }
0x117: {  	s24 =	sadd.s32 $0x1400, s14;
	v2 =	vld.idx.msk [tilespmem:v3+s2+$0x0], $0xffff  }
0x118: {  	v3 =	vadd.s32 s24, v1;
	_ =	sdelay $0x3  }
0x119: {  	[tilespmem:s13+$0xFFFFFFF0] =	vst v2  }
0x11a: {  	s25 =	sadd.s32 $0x1540, s14;
	v2 =	vld.idx.msk [tilespmem:v3+s2+$0x0], $0xffff  }
0x11b: {  	v3 =	vadd.s32 s25, v1;
	_ =	sdelay $0x3  }
0x11c: {  	[tilespmem:s13+$0x0] =	vst v2  }
0x11d: {  	s26 =	sadd.s32 $0x1680, s14;
	v2 =	vld.idx.msk [tilespmem:v3+s2+$0x0], $0xffff  }
0x11e: {  	v3 =	vadd.s32 s26, v1;
	_ =	sdelay $0x3  }
0x11f: {  	[tilespmem:s13+$0x10] =	vst v2  }
0x120: {  	s28 =	sadd.s32 $0x17C0, s14;
	v2 =	vld.idx.msk [tilespmem:v3+s2+$0x0], $0xffff  }
0x121: {  	v3 =	vadd.s32 s28, v1;
	_ =	sdelay $0x3  }
0x122: {  	[tilespmem:s13+$0x20] =	vst v2  }
0x123: {  	s29 =	sadd.s32 $0x1900, s14;
	v2 =	vld.idx.msk [tilespmem:v3+s2+$0x0], $0xffff  }
0x124: {  	v3 =	vadd.s32 s29, v1;
	_ =	sdelay $0x3  }
0x125: {  	[tilespmem:s13+$0x30] =	vst v2  }
0x126: {  	s30 =	sadd.s32 $0x1A40, s14;
	v2 =	vld.idx.msk [tilespmem:v3+s2+$0x0], $0xffff  }
0x127: {  	v3 =	vadd.s32 s30, v1;
	_ =	sdelay $0x3  }
0x128: {  	[tilespmem:s13+$0x40] =	vst v2  }
0x129: {  	s31 =	sadd.s32 $0x1B80, s14;
	v2 =	vld.idx.msk [tilespmem:v3+s2+$0x0], $0xffff  }
0x12a: {  	v3 =	vadd.s32 s31, v1;
	_ =	sdelay $0x3  }
0x12b: {  	[tilespmem:s13+$0x50] =	vst v2  }
0x12c: {  	s16 =	sadd.s32 $0x1CC0, s14;
	v2 =	vld.idx.msk [tilespmem:v3+s2+$0x0], $0xffff  }
0x12d: {  	v3 =	vadd.s32 s16, v1;
	_ =	sdelay $0x3  }
0x12e: {  	[tilespmem:s13+$0x60] =	vst v2  }
0x12f: {  	s17 =	sadd.s32 $0x1E00, s14;
	v2 =	vld.idx.msk [tilespmem:v3+s2+$0x0], $0xffff  }
0x130: {  	v3 =	vadd.s32 s17, v1;
	_ =	sdelay $0x3  }
0x131: {  	[tilespmem:s13+$0x70] =	vst v2  }
0x132: {  	s18 =	sadd.s32 $0x1F40, s14;
	v2 =	vld.idx.msk [tilespmem:v3+s2+$0x0], $0xffff  }
0x133: {  	v3 =	vadd.s32 s18, v1;
	_ =	sdelay $0x3  }
0x134: {  	[tilespmem:s13+$0x80] =	vst v2  }
0x135: {  	s19 =	sadd.s32 $0x2080, s14;
	v2 =	vld.idx.msk [tilespmem:v3+s2+$0x0], $0xffff  }
0x136: {  	v3 =	vadd.s32 s19, v1;
	_ =	sdelay $0x3  }
0x137: {  	[tilespmem:s13+$0x90] =	vst v2  }
0x138: {  	s20 =	sadd.s32 $0x21C0, s14;
	v2 =	vld.idx.msk [tilespmem:v3+s2+$0x0], $0xffff  }
0x139: {  	v3 =	vadd.s32 s20, v1;
	_ =	sdelay $0x3  }
0x13a: {  	[tilespmem:s13+$0xA0] =	vst v2  }
0x13b: {  	s21 =	sadd.s32 $0x2300, s14;
	v2 =	vld.idx.msk [tilespmem:v3+s2+$0x0], $0xffff  }
0x13c: {  	v3 =	vadd.s32 s21, v1;
	_ =	sdelay $0x3  }
0x13d: {  	[tilespmem:s13+$0xB0] =	vst v2  }
0x13e: {  	s22 =	sadd.s32 $0x2440, s14;
	v2 =	vld.idx.msk [tilespmem:v3+s2+$0x0], $0xffff  }
0x13f: {  	v3 =	vadd.s32 s22, v1;
	_ =	sdelay $0x3  }
0x140: {  	[tilespmem:s13+$0xC0] =	vst v2  }
0x141: {  	s23 =	sadd.s32 $0x2580, s14;
	v2 =	vld.idx.msk [tilespmem:v3+s2+$0x0], $0xffff  }
0x142: {  	v3 =	vadd.s32 s23, v1;
	_ =	sdelay $0x3  }
0x143: {  	[tilespmem:s13+$0xD0] =	vst v2  }
0x144: {  	s24 =	sadd.s32 $0x26C0, s14;
	v2 =	vld.idx.msk [tilespmem:v3+s2+$0x0], $0xffff  }
0x145: {  	v3 =	vadd.s32 s24, v1;
	_ =	sdelay $0x3  }
0x146: {  	[tilespmem:s13+$0xE0] =	vst v2  }
0x147: {  	v2 =	vld.idx.msk [tilespmem:v3+s2+$0x0], $0xffff;
	_ =	sdelay $0x4  }
0x148: {  	s25 =	sadd.s32 $0xFFFFFF00, s13;
	[tilespmem:s13+$0xF0] =	vst v2  }
0x149: {  	[tilespmem:s9], [sflag:$0x2] =	stream.indirect.gather.add.f32 [hbm:s3], $0x40, s25, s8, $0xb8;
	[tilespmem:$0xD000] =	vst v63  }
0x14a: {  	s26 =	rddreg [dreg:$0x3];
	s28 =	sadd.s32 $0xFFFFFF80, s13  }
0x14b: {  	[tilespmem:s26], [sflag:$0x2] =	stream.indirect.gather.add.f32 [hbm:s3], $0x40, s28, s8, $0xb8;
	[tilespmem:$0xD000] =	vst v63  }
0x14c: {  	s29 =	rddreg [dreg:$0x4]  }
0x14d: {  	[tilespmem:s29], [sflag:$0x2] =	stream.indirect.gather.add.f32 [hbm:s3], $0x40, s13, s8, $0xb8;
	[tilespmem:$0xD000] =	vst v63  }
0x14e: {  	s30 =	rddreg [dreg:$0x5];
	s31 =	sadd.s32 $0x80, s13;
	s13 =	simm.s32 $0x50  }
0x14f: {  	[tilespmem:s30], [sflag:$0x2] =	stream.indirect.gather.add.f32 [hbm:s3], $0x40, s31, s8, $0xb8;
	[tilespmem:$0xD000] =	vst v63  }
.LBB2_6:
0x150: {  	p0 =	sne.s32 s13, $0x1  }
.Ltmp2:
0x151: {  	_ = 	snop;
	(pc) =	sbr.rel @p0 .LBB2_6-.Ltmp2, $4  }
0x152: {  	_ = 	snop  }
0x153: {  	_ =	swait.ge [sflag:s10], $0x2000  }
0x154: {  	[sflag:s10] =	ssyncset.done $0x0  }
0x155: {  	s13 =	sadd.s32 $0xFFFFFFFF, s13;
	[sflag:s10] =	ssyncadd.s32 $0xFFFFE000  }
0x156: {  	s13 =	simm.s32 $0x0  }
0x157: {  	v2 =	vld [tilespmem:s13+$0x5000]  }
0x158: {  	v4 =	vld [tilespmem:s13+$0x5010]  }
0x159: {  	s14 =	simm.s32 $0x100;
	v3 =	vld [tilespmem:s13+$0x5020]  }
.LBB2_8:
0x15a: {  	p0 =	sne.s32 s14, $0x1FF00;
	v5 =	vld [tilespmem:s13+$0x5030];
	_ =	sdelay $0x1  }
0x15b: {  	v2 =	vmul.f32 $5.000000070e-02, v2  }
.Ltmp3:
0x15c: {  	v4 =	vmul.f32 $5.000000070e-02, v4;
	(pc) =	sbr.rel @p0 .LBB2_8-.Ltmp3, $4  }
0x15d: {  	s15 =	sshra.s32 s14, $0x2;
	[tilespmem:s13+$0x5000] =	vst v2;
	v3 =	vmul.f32 $5.000000070e-02, v3  }
0x15e: {  	v2 =	vld [tilespmem:s15+$0x5000];
	[tilespmem:s13+$0x5010] =	vst v4;
	v5 =	vmul.f32 $5.000000070e-02, v5  }
0x15f: {  	v4 =	vld [tilespmem:s15+$0x5010];
	[tilespmem:s13+$0x5020] =	vst v3  }
0x160: {  	s14 =	sadd.s32 $0x100, s14;
	v3 =	vld [tilespmem:s15+$0x5020];
	[tilespmem:s13+$0x5030] =	vst v5;
	s13 =	smov.u32 s15  }
0x161: {  	v5 =	vld [tilespmem:s13+$0x5030];
	_ =	sdelay $0x1  }
0x162: {  	v2 =	vmul.f32 $5.000000070e-02, v2  }
0x163: {  	v4 =	vmul.f32 $5.000000070e-02, v4  }
0x164: {  	[tilespmem:s13+$0x5000] =	vst v2;
	v2 =	vmul.f32 $5.000000070e-02, v3  }
0x165: {  	s12 =	sadd.s32 $0x1, s12;
	[tilespmem:s13+$0x5010] =	vst v4;
	v3 =	vmul.f32 $5.000000070e-02, v5  }
0x166: {  	p0 =	sne.s32 s12, s6;
	[tilespmem:s13+$0x5020] =	vst v2  }
.Ltmp4:
0x167: {  	[tilespmem:s13+$0x5030] =	vst v3;
	(pc) =	sbr.rel @p0 .LBB2_1-.Ltmp4, $4  }
0x168: {  	[hbm4b:s5+s2] =	stream.linear.scatter [tilespmem:s9], [sflag:$0x3], $0x8000, $0x38;
	[tilespmem:$0xD000] =	vst v63  }
0x169: {  	_ =	swait.ge [sflag:s11], $0x8000  }
0x16a: {  	[sflag:s11] =	ssyncset.done $0x0  }
0x16b: {  	[sflag:s11] =	ssyncadd.s32 $0xFFFF8000  }
0x16c: {  	_ =	sfence.sel $0x180000  }
0x16d: {  	[bflag:$0x0] =	sbarrier.arrive $0xFFFF  }
0x16e: {  	p0 =	sne.s32 s0, $0x0;
	_ =	strace $0x90000047  }
0x16f: {  	s0 =	sadd.s32 @!p0 $0x100000, s1;
	[bflag:$0x2] =	sbarrier.arrive $0xFFFF  }
0x170: {  	[sflag:s0] =	ssyncadd.tile.s32 @!p0 $0x1;
	_ =	shalt  }
.Lfunc_end2:
_tile_overlayer_lowered:
.L_overlay_start_2:
0x171: {  	(tag) =	ssettag $0x2  }
0x172: {  	s0 =	rddreg [dreg:$0x0];
	s2 =	stileid.u32  }
0x173: {  	s1 =	rddreg [dreg:$0x1];
	p0 =	sne.s32 s2, $0x0  }
0x174: {  	s3 =	rddreg [dreg:$0x2];
	[bflag:$0x3] =	sbarrier.arrive $0xFFFF;
	s2 =	simm.s32 @!p0 $0x1C03  }
0x175: {  	[timem:s3], [sflag:s2] =	dma.local @!p0 [hbm:s0], s1  }
0x176: {  	s0 =	simm.s32 @!p0 $0x3  }
0x177: {  	_ =	swait.ge @!p0 [sflag:s0], s1  }
0x178: {  	s1 =	ssub.s32 @!p0 $0x0, s1;
	[sflag:s0] =	ssyncset.done @!p0 $0x0  }
0x179: {  	[sflag:s0] =	ssyncadd.s32 @!p0 s1  }
0x17a: {  	[bflag:$0x3] =	sbarrier.arrive $0xFFFF  }
0x17b: {  	_ =	shalt  }

</sc_bundles>
